<compile_context>
chip_gen: v7x
topology: tpu7x:2x2x1
jax: 0.10.2.dev20260603
libtpu: 0.0.44.dev20260713+nightly
codegen_flags: <defaults>
</compile_context>

<pallas_src>
import functools

import jax
import jax.numpy as jnp
from jax.experimental import pallas as pl
from jax.experimental.pallas import tpu as pltpu

_B, _S, _P, _C, _K = 16, 720, 336, 321, 8
_T = _S + _P
_TP = 1152
_W = 512
_CP = 384
_CBLK = 128
_EPS = 1e-5


def _stage_a_body(x_ref, w_ref, xn_ref, yh_ref, mean_ref, std_ref):
    xb = x_ref[...]
    mean = jnp.mean(xb, axis=1)
    xc = xb - mean[:, None, :]
    var = jnp.mean(xc * xc, axis=1)
    std = jnp.sqrt(var + _EPS)
    xn = xc / std[:, None, :]
    xn_ref[...] = xn
    mean_ref[...] = mean
    std_ref[...] = std
    wm = w_ref[...]
    for b in range(_B):
        yh_ref[b] = jnp.dot(wm, xn[b], preferred_element_type=jnp.float32)


def _stage_b_body(seq_ref, leaders_ref, starts_ref, deltas_ref, wf_ref,
                  wc_ref, lw_ref, mean_ref, std_ref, y_ref, ss_ref):
    c = pl.program_id(0)
    yh_c = seq_ref[c, :, _S:_T]
    ss_ref[0, 0] = yh_c

    lw = lw_ref[0]
    lw_max = jnp.max(lw, axis=1, keepdims=True)
    e = jnp.exp(lw - lw_max)
    w = e / jnp.sum(e, axis=1, keepdims=True)

    acc = w[0:1, 0:1] * yh_c
    for k in range(_K):
        ch = leaders_ref[c, k]
        st = starts_ref[c, k]
        d = deltas_ref[c, k]
        base = pl.multiple_of((st // 128) * 128, 128)
        off = st - base
        window = seq_ref[ch, :, pl.ds(base, _W)]
        gc = pltpu.roll(window, _W - off, axis=1)[:, :_P]
        gf = pltpu.roll(window, _W - (off + d), axis=1)[:, :_P]
        out_k = gf * wf_ref[c, k] + gc * wc_ref[c, k]
        ss_ref[1 + k, 0] = out_k
        acc = acc + w[0:1, 1 + k:2 + k] * out_k

    mean_c = mean_ref[0]
    std_c = std_ref[0]
    y_ref[0] = acc * std_c + mean_c


@jax.jit
def kernel(x, leaders, shifts, W, leader_weight):
    sh = jax.nn.sigmoid(shifts) * _S
    sf = jnp.floor(sh)
    sc = jnp.ceil(sh)
    starts = (_S - sc.astype(jnp.int32)).reshape(_C, _K)
    deltas = (sc - sf).astype(jnp.int32).reshape(_C, _K)
    wf = (sh - sf).reshape(_C, _K)
    wc = (sh + 1.0 - sc).reshape(_C, _K)
    leaders2 = leaders.reshape(_C, _K)

    x_p = jnp.pad(x, ((0, 0), (0, 0), (0, _CP - _C)))
    grid_a = (_CP // _CBLK,)
    xn_p, yh_p, mean_bc, std_bc = pl.pallas_call(
        _stage_a_body,
        grid=grid_a,
        in_specs=[
            pl.BlockSpec((_B, _S, _CBLK), lambda i: (0, 0, i)),
            pl.BlockSpec((_P, _S), lambda i: (0, 0)),
        ],
        out_specs=[
            pl.BlockSpec((_B, _S, _CBLK), lambda i: (0, 0, i)),
            pl.BlockSpec((_B, _P, _CBLK), lambda i: (0, 0, i)),
            pl.BlockSpec((_B, _CBLK), lambda i: (0, i)),
            pl.BlockSpec((_B, _CBLK), lambda i: (0, i)),
        ],
        out_shape=[
            jax.ShapeDtypeStruct((_B, _S, _CP), jnp.float32),
            jax.ShapeDtypeStruct((_B, _P, _CP), jnp.float32),
            jax.ShapeDtypeStruct((_B, _CP), jnp.float32),
            jax.ShapeDtypeStruct((_B, _CP), jnp.float32),
        ],
    )(x_p, W)

    seq_cbt = jnp.concatenate(
        [xn_p[:, :, :_C].transpose(2, 0, 1), yh_p[:, :, :_C].transpose(2, 0, 1),
         jnp.zeros((_C, _B, _TP - _T), jnp.float32)],
        axis=2)
    mean_cb = mean_bc[:, :_C].T.reshape(_C, _B, 1)
    std_cb = std_bc[:, :_C].T.reshape(_C, _B, 1)
    lw3 = leader_weight.reshape(_C, 1, 1 + _K)

    smem = functools.partial(pl.BlockSpec, memory_space=pltpu.SMEM)
    y_t, ss = pl.pallas_call(
        _stage_b_body,
        grid=(_C,),
        in_specs=[
            pl.BlockSpec((_C, _B, _TP), lambda c: (0, 0, 0)),
            smem(),
            smem(),
            smem(),
            smem(),
            smem(),
            pl.BlockSpec((1, 1, 1 + _K), lambda c: (c, 0, 0)),
            pl.BlockSpec((1, _B, 1), lambda c: (c, 0, 0)),
            pl.BlockSpec((1, _B, 1), lambda c: (c, 0, 0)),
        ],
        out_specs=[
            pl.BlockSpec((1, _B, _P), lambda c: (c, 0, 0)),
            pl.BlockSpec((1 + _K, 1, _B, _P), lambda c: (0, c, 0, 0)),
        ],
        out_shape=[
            jax.ShapeDtypeStruct((_C, _B, _P), jnp.float32),
            jax.ShapeDtypeStruct((1 + _K, _C, _B, _P), jnp.float32),
        ],
    )(seq_cbt, leaders2, starts, deltas, wf, wc, lw3, mean_cb, std_cb)

    y = y_t.transpose(1, 2, 0)
    seq_shifted = ss.transpose(2, 3, 1, 0)
    return (y, seq_shifted)

# --- scband reference (transcript-rebuilt; emitter-appended) ---
"""Pipeline reference for scband-model-55070070670134 (READ-ONLY COPY).

The authoritative reference and input builder live on the scoring server;
editing this copy changes nothing except your own understanding.
"""

import jax, jax.numpy as jnp
import numpy as np

B, S, P, C, K = 16, 720, 336, 321, 8


def setup_inputs(seed: int = 0) -> dict:
    key = jax.random.key(seed)
    k1, k2, k3, k4 = jax.random.split(key, 4)
    x = jax.random.normal(k1, (B, S, C), dtype=jnp.float32)
    leaders = jax.random.randint(k2, (C * K,), 0, C, dtype=jnp.int32)
    shifts = jax.random.normal(k3, (C * K,), dtype=jnp.float32)
    W = jax.random.normal(k4, (P, S), dtype=jnp.float32) * 0.02
    leader_weight = jnp.ones((C, 1 + K), dtype=jnp.float32) / (1 + K)
    return {"x": x, "leaders": leaders, "shifts": shifts, "W": W, "leader_weight": leader_weight}


def reference(x, leaders, shifts, W, leader_weight):
    eps = 1e-5
    # RevIN norm (affine=False)
    mean = jnp.mean(x, axis=1, keepdims=True)
    std = jnp.sqrt(jnp.var(x, axis=1, keepdims=True) + eps)
    xn = (x - mean) / std
    # per-channel linear: nn.Linear(seq_len, pred_len, bias=False)
    y_hat = jnp.einsum('bsc,ps->bpc', xn, W)  # [B, P, C]
    # gather leader channels from concatenated history+forecast
    seq = jnp.concatenate([xn, y_hat], axis=1)[:, :, leaders]  # [B, S+P, C*K]
    indices = jnp.arange(S, S + P, dtype=jnp.int32)[None, :, None]  # [1, P, 1]
    sh = jax.nn.sigmoid(shifts) * S  # [C*K]
    sf = jnp.floor(sh)
    sc = jnp.ceil(sh)
    idx_f = indices - sf.astype(jnp.int32)[None, None, :]  # [1, P, C*K]
    idx_c = indices - sc.astype(jnp.int32)[None, None, :]
    idx_f_b = jnp.broadcast_to(idx_f, (x.shape[0], P, C * K))
    idx_c_b = jnp.broadcast_to(idx_c, (x.shape[0], P, C * K))
    gf = jnp.take_along_axis(seq, idx_f_b, axis=1)
    gc = jnp.take_along_axis(seq, idx_c_b, axis=1)
    seq_shifted = gf * (sh - sf)[None, None, :] + gc * (sh + 1.0 - sc)[None, None, :]
    seq_shifted = seq_shifted.reshape(seq_shifted.shape[0], seq_shifted.shape[1], C, K)
    seq_shifted = jnp.concatenate([y_hat[..., None], seq_shifted], axis=-1)  # [B, P, C, 1+K]
    w = jax.nn.softmax(leader_weight, axis=-1)  # [C, 1+K]
    y = jnp.sum(seq_shifted * w, axis=-1)  # [B, P, C]
    # RevIN denorm
    y = y * std + mean
    return (y, seq_shifted)

if __name__ == "__main__":
    import jax
    _d = setup_inputs()
    print(jax.jit(kernel)(*tuple(_d.values())))

</pallas_src>

<mosaic_0001>
module attributes {stable_mosaic.version = 14 : i64} {
  func.func @_stage_a_body(%arg0: i32, %arg1: memref<16x720x128xf32, #tpu.memory_space<vmem>>, %arg2: memref<336x720xf32, #tpu.memory_space<vmem>>, %arg3: memref<16x720x128xf32, #tpu.memory_space<vmem>>, %arg4: memref<16x336x128xf32, #tpu.memory_space<vmem>>, %arg5: memref<16x128xf32, #tpu.memory_space<vmem>>, %arg6: memref<16x128xf32, #tpu.memory_space<vmem>>) attributes {dimension_semantics = [#tpu.dimension_semantics<arbitrary>], iteration_bounds = array<i64: 3>, scalar_prefetch = 0 : i64, scratch_operands = 0 : i64, tpu.core_type = #tpu.core_type<tc>, window_params = [{transform_indices = @transform_0, window_bounds = array<i64: 16, 720, 128>}, {pipeline_mode = #tpu.pipeline_mode<synchronous>, transform_indices = @transform_1, window_bounds = array<i64: 336, 720>}, {transform_indices = @transform_2, window_bounds = array<i64: 16, 720, 128>}, {transform_indices = @transform_3, window_bounds = array<i64: 16, 336, 128>}, {transform_indices = @transform_4, window_bounds = array<i64: 16, 128>}, {transform_indices = @transform_5, window_bounds = array<i64: 16, 128>}]} {
    %get3A = arith.constant 0 : index
    %get3A_0 = arith.constant 0 : index
    %get3A_1 = arith.constant 0 : index
    %get3A_2 = vector.load %arg1[%get3A, %get3A_0, %get3A_1] : memref<16x720x128xf32, #tpu.memory_space<vmem>>, vector<16x720x128xf32>
    %reduce_sum3A = arith.constant dense<0.000000e+00> : vector<16x128xf32>
    %reduce_sum3A_3 = vector.multi_reduction <add>, %get3A_2, %reduce_sum3A [1] : vector<16x720x128xf32> to vector<16x128xf32>
    %div3A = arith.constant 7.200000e+02 : f32
    %div3A_4 = vector.broadcast %div3A : f32 to vector<16x128xf32>
    %div3A_5 = arith.divf %reduce_sum3A_3, %div3A_4 : vector<16x128xf32>
    %broadcast_in_dim3A = vector.shape_cast %div3A_5 : vector<16x128xf32> to vector<16x1x128xf32>
    %sub3A = vector.broadcast %broadcast_in_dim3A : vector<16x1x128xf32> to vector<16x720x128xf32>
    %sub3A_6 = arith.subf %get3A_2, %sub3A : vector<16x720x128xf32>
    %mul3A = arith.mulf %sub3A_6, %sub3A_6 : vector<16x720x128xf32>
    %reduce_sum3A_7 = arith.constant dense<0.000000e+00> : vector<16x128xf32>
    %reduce_sum3A_8 = vector.multi_reduction <add>, %mul3A, %reduce_sum3A_7 [1] : vector<16x720x128xf32> to vector<16x128xf32>
    %div3A_9 = arith.constant 7.200000e+02 : f32
    %div3A_10 = vector.broadcast %div3A_9 : f32 to vector<16x128xf32>
    %div3A_11 = arith.divf %reduce_sum3A_8, %div3A_10 : vector<16x128xf32>
    %add3A = arith.constant 9.99999974E-6 : f32
    %add3A_12 = vector.broadcast %add3A : f32 to vector<16x128xf32>
    %add3A_13 = arith.addf %div3A_11, %add3A_12 : vector<16x128xf32>
    %sqrt3A = math.sqrt %add3A_13 : vector<16x128xf32>
    %broadcast_in_dim3A_14 = vector.shape_cast %sqrt3A : vector<16x128xf32> to vector<16x1x128xf32>
    %div3A_15 = vector.broadcast %broadcast_in_dim3A_14 : vector<16x1x128xf32> to vector<16x720x128xf32>
    %div3A_16 = arith.divf %sub3A_6, %div3A_15 : vector<16x720x128xf32>
    %swap3A = arith.constant 0 : index
    %swap3A_17 = arith.constant 0 : index
    %swap3A_18 = arith.constant 0 : index
    %swap3A_19 = vector.load %arg3[%swap3A, %swap3A_17, %swap3A_18] : memref<16x720x128xf32, #tpu.memory_space<vmem>>, vector<16x720x128xf32>
    tpu.vector_store %arg3[%swap3A, %swap3A_17, %swap3A_18], %div3A_16 {strides = array<i32>} : memref<16x720x128xf32, #tpu.memory_space<vmem>>, vector<16x720x128xf32>,
    %swap3A_20 = arith.constant 0 : index
    %swap3A_21 = arith.constant 0 : index
    %swap3A_22 = vector.load %arg5[%swap3A_20, %swap3A_21] : memref<16x128xf32, #tpu.memory_space<vmem>>, vector<16x128xf32>
    tpu.vector_store %arg5[%swap3A_20, %swap3A_21], %div3A_5 {strides = array<i32>} : memref<16x128xf32, #tpu.memory_space<vmem>>, vector<16x128xf32>,
    %swap3A_23 = arith.constant 0 : index
    %swap3A_24 = arith.constant 0 : index
    %swap3A_25 = vector.load %arg6[%swap3A_23, %swap3A_24] : memref<16x128xf32, #tpu.memory_space<vmem>>, vector<16x128xf32>
    tpu.vector_store %arg6[%swap3A_23, %swap3A_24], %sqrt3A {strides = array<i32>} : memref<16x128xf32, #tpu.memory_space<vmem>>, vector<16x128xf32>,
    %get3A_26 = arith.constant 0 : index
    %get3A_27 = arith.constant 0 : index
    %get3A_28 = vector.load %arg2[%get3A_26, %get3A_27] : memref<336x720xf32, #tpu.memory_space<vmem>>, vector<336x720xf32>
    %slice3A = vector.extract_strided_slice %div3A_16 {offsets = [0, 0, 0], sizes = [1, 720, 128], strides = [1, 1, 1]} : vector<16x720x128xf32> to vector<1x720x128xf32>
    %squeeze3A = vector.shape_cast %slice3A : vector<1x720x128xf32> to vector<720x128xf32>
    %dot_general3A = arith.constant dense<0.000000e+00> : vector<336x128xf32>
    %dot_general3A_29 = tpu.matmul %get3A_28, %squeeze3A, %dot_general3A {dimension_numbers = #tpu.dot_dimension_numbers<[1], [0], [0], [1], [0, 0, 1, 1], [], []>, transpose_lhs_hint = false} : vector<336x720xf32>, vector<720x128xf32>, vector<336x128xf32> -> vector<336x128xf32>
    %swap3A_30 = arith.constant 0 : index
    %swap3A_31 = arith.constant 0 : index
    %swap3A_32 = arith.constant 0 : index
    %swap3A_33 = vector.load %arg4[%swap3A_30, %swap3A_31, %swap3A_32] : memref<16x336x128xf32, #tpu.memory_space<vmem>>, vector<1x336x128xf32>
    %swap3A_34 = vector.shape_cast %swap3A_33 : vector<1x336x128xf32> to vector<336x128xf32>
    %swap3A_35 = vector.shape_cast %dot_general3A_29 : vector<336x128xf32> to vector<1x336x128xf32>
    tpu.vector_store %arg4[%swap3A_30, %swap3A_31, %swap3A_32], %swap3A_35 {strides = array<i32>} : memref<16x336x128xf32, #tpu.memory_space<vmem>>, vector<1x336x128xf32>,
    %slice3A_36 = vector.extract_strided_slice %div3A_16 {offsets = [1, 0, 0], sizes = [1, 720, 128], strides = [1, 1, 1]} : vector<16x720x128xf32> to vector<1x720x128xf32>
    %squeeze3A_37 = vector.shape_cast %slice3A_36 : vector<1x720x128xf32> to vector<720x128xf32>
    %dot_general3A_38 = arith.constant dense<0.000000e+00> : vector<336x128xf32>
    %dot_general3A_39 = tpu.matmul %get3A_28, %squeeze3A_37, %dot_general3A_38 {dimension_numbers = #tpu.dot_dimension_numbers<[1], [0], [0], [1], [0, 0, 1, 1], [], []>, transpose_lhs_hint = false} : vector<336x720xf32>, vector<720x128xf32>, vector<336x128xf32> -> vector<336x128xf32>
    %swap3A_40 = arith.constant 1 : index
    %swap3A_41 = arith.constant 0 : index
    %swap3A_42 = arith.constant 0 : index
    %swap3A_43 = vector.load %arg4[%swap3A_40, %swap3A_41, %swap3A_42] : memref<16x336x128xf32, #tpu.memory_space<vmem>>, vector<1x336x128xf32>
    %swap3A_44 = vector.shape_cast %swap3A_43 : vector<1x336x128xf32> to vector<336x128xf32>
    %swap3A_45 = vector.shape_cast %dot_general3A_39 : vector<336x128xf32> to vector<1x336x128xf32>
    tpu.vector_store %arg4[%swap3A_40, %swap3A_41, %swap3A_42], %swap3A_45 {strides = array<i32>} : memref<16x336x128xf32, #tpu.memory_space<vmem>>, vector<1x336x128xf32>,
    %slice3A_46 = vector.extract_strided_slice %div3A_16 {offsets = [2, 0, 0], sizes = [1, 720, 128], strides = [1, 1, 1]} : vector<16x720x128xf32> to vector<1x720x128xf32>
    %squeeze3A_47 = vector.shape_cast %slice3A_46 : vector<1x720x128xf32> to vector<720x128xf32>
    %dot_general3A_48 = arith.constant dense<0.000000e+00> : vector<336x128xf32>
    %dot_general3A_49 = tpu.matmul %get3A_28, %squeeze3A_47, %dot_general3A_48 {dimension_numbers = #tpu.dot_dimension_numbers<[1], [0], [0], [1], [0, 0, 1, 1], [], []>, transpose_lhs_hint = false} : vector<336x720xf32>, vector<720x128xf32>, vector<336x128xf32> -> vector<336x128xf32>
    %swap3A_50 = arith.constant 2 : index
    %swap3A_51 = arith.constant 0 : index
    %swap3A_52 = arith.constant 0 : index
    %swap3A_53 = vector.load %arg4[%swap3A_50, %swap3A_51, %swap3A_52] : memref<16x336x128xf32, #tpu.memory_space<vmem>>, vector<1x336x128xf32>
    %swap3A_54 = vector.shape_cast %swap3A_53 : vector<1x336x128xf32> to vector<336x128xf32>
    %swap3A_55 = vector.shape_cast %dot_general3A_49 : vector<336x128xf32> to vector<1x336x128xf32>
    tpu.vector_store %arg4[%swap3A_50, %swap3A_51, %swap3A_52], %swap3A_55 {strides = array<i32>} : memref<16x336x128xf32, #tpu.memory_space<vmem>>, vector<1x336x128xf32>,
    %slice3A_56 = vector.extract_strided_slice %div3A_16 {offsets = [3, 0, 0], sizes = [1, 720, 128], strides = [1, 1, 1]} : vector<16x720x128xf32> to vector<1x720x128xf32>
    %squeeze3A_57 = vector.shape_cast %slice3A_56 : vector<1x720x128xf32> to vector<720x128xf32>
    %dot_general3A_58 = arith.constant dense<0.000000e+00> : vector<336x128xf32>
    %dot_general3A_59 = tpu.matmul %get3A_28, %squeeze3A_57, %dot_general3A_58 {dimension_numbers = #tpu.dot_dimension_numbers<[1], [0], [0], [1], [0, 0, 1, 1], [], []>, transpose_lhs_hint = false} : vector<336x720xf32>, vector<720x128xf32>, vector<336x128xf32> -> vector<336x128xf32>
    %swap3A_60 = arith.constant 3 : index
    %swap3A_61 = arith.constant 0 : index
    %swap3A_62 = arith.constant 0 : index
    %swap3A_63 = vector.load %arg4[%swap3A_60, %swap3A_61, %swap3A_62] : memref<16x336x128xf32, #tpu.memory_space<vmem>>, vector<1x336x128xf32>
    %swap3A_64 = vector.shape_cast %swap3A_63 : vector<1x336x128xf32> to vector<336x128xf32>
    %swap3A_65 = vector.shape_cast %dot_general3A_59 : vector<336x128xf32> to vector<1x336x128xf32>
    tpu.vector_store %arg4[%swap3A_60, %swap3A_61, %swap3A_62], %swap3A_65 {strides = array<i32>} : memref<16x336x128xf32, #tpu.memory_space<vmem>>, vector<1x336x128xf32>,
    %slice3A_66 = vector.extract_strided_slice %div3A_16 {offsets = [4, 0, 0], sizes = [1, 720, 128], strides = [1, 1, 1]} : vector<16x720x128xf32> to vector<1x720x128xf32>
    %squeeze3A_67 = vector.shape_cast %slice3A_66 : vector<1x720x128xf32> to vector<720x128xf32>
    %dot_general3A_68 = arith.constant dense<0.000000e+00> : vector<336x128xf32>
    %dot_general3A_69 = tpu.matmul %get3A_28, %squeeze3A_67, %dot_general3A_68 {dimension_numbers = #tpu.dot_dimension_numbers<[1], [0], [0], [1], [0, 0, 1, 1], [], []>, transpose_lhs_hint = false} : vector<336x720xf32>, vector<720x128xf32>, vector<336x128xf32> -> vector<336x128xf32>
    %swap3A_70 = arith.constant 4 : index
    %swap3A_71 = arith.constant 0 : index
    %swap3A_72 = arith.constant 0 : index
    %swap3A_73 = vector.load %arg4[%swap3A_70, %swap3A_71, %swap3A_72] : memref<16x336x128xf32, #tpu.memory_space<vmem>>, vector<1x336x128xf32>
    %swap3A_74 = vector.shape_cast %swap3A_73 : vector<1x336x128xf32> to vector<336x128xf32>
    %swap3A_75 = vector.shape_cast %dot_general3A_69 : vector<336x128xf32> to vector<1x336x128xf32>
    tpu.vector_store %arg4[%swap3A_70, %swap3A_71, %swap3A_72], %swap3A_75 {strides = array<i32>} : memref<16x336x128xf32, #tpu.memory_space<vmem>>, vector<1x336x128xf32>,
    %slice3A_76 = vector.extract_strided_slice %div3A_16 {offsets = [5, 0, 0], sizes = [1, 720, 128], strides = [1, 1, 1]} : vector<16x720x128xf32> to vector<1x720x128xf32>
    %squeeze3A_77 = vector.shape_cast %slice3A_76 : vector<1x720x128xf32> to vector<720x128xf32>
    %dot_general3A_78 = arith.constant dense<0.000000e+00> : vector<336x128xf32>
    %dot_general3A_79 = tpu.matmul %get3A_28, %squeeze3A_77, %dot_general3A_78 {dimension_numbers = #tpu.dot_dimension_numbers<[1], [0], [0], [1], [0, 0, 1, 1], [], []>, transpose_lhs_hint = false} : vector<336x720xf32>, vector<720x128xf32>, vector<336x128xf32> -> vector<336x128xf32>
    %swap3A_80 = arith.constant 5 : index
    %swap3A_81 = arith.constant 0 : index
    %swap3A_82 = arith.constant 0 : index
    %swap3A_83 = vector.load %arg4[%swap3A_80, %swap3A_81, %swap3A_82] : memref<16x336x128xf32, #tpu.memory_space<vmem>>, vector<1x336x128xf32>
    %swap3A_84 = vector.shape_cast %swap3A_83 : vector<1x336x128xf32> to vector<336x128xf32>
    %swap3A_85 = vector.shape_cast %dot_general3A_79 : vector<336x128xf32> to vector<1x336x128xf32>
    tpu.vector_store %arg4[%swap3A_80, %swap3A_81, %swap3A_82], %swap3A_85 {strides = array<i32>} : memref<16x336x128xf32, #tpu.memory_space<vmem>>, vector<1x336x128xf32>,
    %slice3A_86 = vector.extract_strided_slice %div3A_16 {offsets = [6, 0, 0], sizes = [1, 720, 128], strides = [1, 1, 1]} : vector<16x720x128xf32> to vector<1x720x128xf32>
    %squeeze3A_87 = vector.shape_cast %slice3A_86 : vector<1x720x128xf32> to vector<720x128xf32>
    %dot_general3A_88 = arith.constant dense<0.000000e+00> : vector<336x128xf32>
    %dot_general3A_89 = tpu.matmul %get3A_28, %squeeze3A_87, %dot_general3A_88 {dimension_numbers = #tpu.dot_dimension_numbers<[1], [0], [0], [1], [0, 0, 1, 1], [], []>, transpose_lhs_hint = false} : vector<336x720xf32>, vector<720x128xf32>, vector<336x128xf32> -> vector<336x128xf32>
    %swap3A_90 = arith.constant 6 : index
    %swap3A_91 = arith.constant 0 : index
    %swap3A_92 = arith.constant 0 : index
    %swap3A_93 = vector.load %arg4[%swap3A_90, %swap3A_91, %swap3A_92] : memref<16x336x128xf32, #tpu.memory_space<vmem>>, vector<1x336x128xf32>
    %swap3A_94 = vector.shape_cast %swap3A_93 : vector<1x336x128xf32> to vector<336x128xf32>
    %swap3A_95 = vector.shape_cast %dot_general3A_89 : vector<336x128xf32> to vector<1x336x128xf32>
    tpu.vector_store %arg4[%swap3A_90, %swap3A_91, %swap3A_92], %swap3A_95 {strides = array<i32>} : memref<16x336x128xf32, #tpu.memory_space<vmem>>, vector<1x336x128xf32>,
    %slice3A_96 = vector.extract_strided_slice %div3A_16 {offsets = [7, 0, 0], sizes = [1, 720, 128], strides = [1, 1, 1]} : vector<16x720x128xf32> to vector<1x720x128xf32>
    %squeeze3A_97 = vector.shape_cast %slice3A_96 : vector<1x720x128xf32> to vector<720x128xf32>
    %dot_general3A_98 = arith.constant dense<0.000000e+00> : vector<336x128xf32>
    %dot_general3A_99 = tpu.matmul %get3A_28, %squeeze3A_97, %dot_general3A_98 {dimension_numbers = #tpu.dot_dimension_numbers<[1], [0], [0], [1], [0, 0, 1, 1], [], []>, transpose_lhs_hint = false} : vector<336x720xf32>, vector<720x128xf32>, vector<336x128xf32> -> vector<336x128xf32>
    %swap3A_100 = arith.constant 7 : index
    %swap3A_101 = arith.constant 0 : index
    %swap3A_102 = arith.constant 0 : index
    %swap3A_103 = vector.load %arg4[%swap3A_100, %swap3A_101, %swap3A_102] : memref<16x336x128xf32, #tpu.memory_space<vmem>>, vector<1x336x128xf32>
    %swap3A_104 = vector.shape_cast %swap3A_103 : vector<1x336x128xf32> to vector<336x128xf32>
    %swap3A_105 = vector.shape_cast %dot_general3A_99 : vector<336x128xf32> to vector<1x336x128xf32>
    tpu.vector_store %arg4[%swap3A_100, %swap3A_101, %swap3A_102], %swap3A_105 {strides = array<i32>} : memref<16x336x128xf32, #tpu.memory_space<vmem>>, vector<1x336x128xf32>,
    %slice3A_106 = vector.extract_strided_slice %div3A_16 {offsets = [8, 0, 0], sizes = [1, 720, 128], strides = [1, 1, 1]} : vector<16x720x128xf32> to vector<1x720x128xf32>
    %squeeze3A_107 = vector.shape_cast %slice3A_106 : vector<1x720x128xf32> to vector<720x128xf32>
    %dot_general3A_108 = arith.constant dense<0.000000e+00> : vector<336x128xf32>
    %dot_general3A_109 = tpu.matmul %get3A_28, %squeeze3A_107, %dot_general3A_108 {dimension_numbers = #tpu.dot_dimension_numbers<[1], [0], [0], [1], [0, 0, 1, 1], [], []>, transpose_lhs_hint = false} : vector<336x720xf32>, vector<720x128xf32>, vector<336x128xf32> -> vector<336x128xf32>
    %swap3A_110 = arith.constant 8 : index
    %swap3A_111 = arith.constant 0 : index
    %swap3A_112 = arith.constant 0 : index
    %swap3A_113 = vector.load %arg4[%swap3A_110, %swap3A_111, %swap3A_112] : memref<16x336x128xf32, #tpu.memory_space<vmem>>, vector<1x336x128xf32>
    %swap3A_114 = vector.shape_cast %swap3A_113 : vector<1x336x128xf32> to vector<336x128xf32>
    %swap3A_115 = vector.shape_cast %dot_general3A_109 : vector<336x128xf32> to vector<1x336x128xf32>
    tpu.vector_store %arg4[%swap3A_110, %swap3A_111, %swap3A_112], %swap3A_115 {strides = array<i32>} : memref<16x336x128xf32, #tpu.memory_space<vmem>>, vector<1x336x128xf32>,
    %slice3A_116 = vector.extract_strided_slice %div3A_16 {offsets = [9, 0, 0], sizes = [1, 720, 128], strides = [1, 1, 1]} : vector<16x720x128xf32> to vector<1x720x128xf32>
    %squeeze3A_117 = vector.shape_cast %slice3A_116 : vector<1x720x128xf32> to vector<720x128xf32>
    %dot_general3A_118 = arith.constant dense<0.000000e+00> : vector<336x128xf32>
    %dot_general3A_119 = tpu.matmul %get3A_28, %squeeze3A_117, %dot_general3A_118 {dimension_numbers = #tpu.dot_dimension_numbers<[1], [0], [0], [1], [0, 0, 1, 1], [], []>, transpose_lhs_hint = false} : vector<336x720xf32>, vector<720x128xf32>, vector<336x128xf32> -> vector<336x128xf32>
    %swap3A_120 = arith.constant 9 : index
    %swap3A_121 = arith.constant 0 : index
    %swap3A_122 = arith.constant 0 : index
    %swap3A_123 = vector.load %arg4[%swap3A_120, %swap3A_121, %swap3A_122] : memref<16x336x128xf32, #tpu.memory_space<vmem>>, vector<1x336x128xf32>
    %swap3A_124 = vector.shape_cast %swap3A_123 : vector<1x336x128xf32> to vector<336x128xf32>
    %swap3A_125 = vector.shape_cast %dot_general3A_119 : vector<336x128xf32> to vector<1x336x128xf32>
    tpu.vector_store %arg4[%swap3A_120, %swap3A_121, %swap3A_122], %swap3A_125 {strides = array<i32>} : memref<16x336x128xf32, #tpu.memory_space<vmem>>, vector<1x336x128xf32>,
    %slice3A_126 = vector.extract_strided_slice %div3A_16 {offsets = [10, 0, 0], sizes = [1, 720, 128], strides = [1, 1, 1]} : vector<16x720x128xf32> to vector<1x720x128xf32>
    %squeeze3A_127 = vector.shape_cast %slice3A_126 : vector<1x720x128xf32> to vector<720x128xf32>
    %dot_general3A_128 = arith.constant dense<0.000000e+00> : vector<336x128xf32>
    %dot_general3A_129 = tpu.matmul %get3A_28, %squeeze3A_127, %dot_general3A_128 {dimension_numbers = #tpu.dot_dimension_numbers<[1], [0], [0], [1], [0, 0, 1, 1], [], []>, transpose_lhs_hint = false} : vector<336x720xf32>, vector<720x128xf32>, vector<336x128xf32> -> vector<336x128xf32>
    %swap3A_130 = arith.constant 10 : index
    %swap3A_131 = arith.constant 0 : index
    %swap3A_132 = arith.constant 0 : index
    %swap3A_133 = vector.load %arg4[%swap3A_130, %swap3A_131, %swap3A_132] : memref<16x336x128xf32, #tpu.memory_space<vmem>>, vector<1x336x128xf32>
    %swap3A_134 = vector.shape_cast %swap3A_133 : vector<1x336x128xf32> to vector<336x128xf32>
    %swap3A_135 = vector.shape_cast %dot_general3A_129 : vector<336x128xf32> to vector<1x336x128xf32>
    tpu.vector_store %arg4[%swap3A_130, %swap3A_131, %swap3A_132], %swap3A_135 {strides = array<i32>} : memref<16x336x128xf32, #tpu.memory_space<vmem>>, vector<1x336x128xf32>,
    %slice3A_136 = vector.extract_strided_slice %div3A_16 {offsets = [11, 0, 0], sizes = [1, 720, 128], strides = [1, 1, 1]} : vector<16x720x128xf32> to vector<1x720x128xf32>
    %squeeze3A_137 = vector.shape_cast %slice3A_136 : vector<1x720x128xf32> to vector<720x128xf32>
    %dot_general3A_138 = arith.constant dense<0.000000e+00> : vector<336x128xf32>
    %dot_general3A_139 = tpu.matmul %get3A_28, %squeeze3A_137, %dot_general3A_138 {dimension_numbers = #tpu.dot_dimension_numbers<[1], [0], [0], [1], [0, 0, 1, 1], [], []>, transpose_lhs_hint = false} : vector<336x720xf32>, vector<720x128xf32>, vector<336x128xf32> -> vector<336x128xf32>
    %swap3A_140 = arith.constant 11 : index
    %swap3A_141 = arith.constant 0 : index
    %swap3A_142 = arith.constant 0 : index
    %swap3A_143 = vector.load %arg4[%swap3A_140, %swap3A_141, %swap3A_142] : memref<16x336x128xf32, #tpu.memory_space<vmem>>, vector<1x336x128xf32>
    %swap3A_144 = vector.shape_cast %swap3A_143 : vector<1x336x128xf32> to vector<336x128xf32>
    %swap3A_145 = vector.shape_cast %dot_general3A_139 : vector<336x128xf32> to vector<1x336x128xf32>
    tpu.vector_store %arg4[%swap3A_140, %swap3A_141, %swap3A_142], %swap3A_145 {strides = array<i32>} : memref<16x336x128xf32, #tpu.memory_space<vmem>>, vector<1x336x128xf32>,
    %slice3A_146 = vector.extract_strided_slice %div3A_16 {offsets = [12, 0, 0], sizes = [1, 720, 128], strides = [1, 1, 1]} : vector<16x720x128xf32> to vector<1x720x128xf32>
    %squeeze3A_147 = vector.shape_cast %slice3A_146 : vector<1x720x128xf32> to vector<720x128xf32>
    %dot_general3A_148 = arith.constant dense<0.000000e+00> : vector<336x128xf32>
    %dot_general3A_149 = tpu.matmul %get3A_28, %squeeze3A_147, %dot_general3A_148 {dimension_numbers = #tpu.dot_dimension_numbers<[1], [0], [0], [1], [0, 0, 1, 1], [], []>, transpose_lhs_hint = false} : vector<336x720xf32>, vector<720x128xf32>, vector<336x128xf32> -> vector<336x128xf32>
    %swap3A_150 = arith.constant 12 : index
    %swap3A_151 = arith.constant 0 : index
    %swap3A_152 = arith.constant 0 : index
    %swap3A_153 = vector.load %arg4[%swap3A_150, %swap3A_151, %swap3A_152] : memref<16x336x128xf32, #tpu.memory_space<vmem>>, vector<1x336x128xf32>
    %swap3A_154 = vector.shape_cast %swap3A_153 : vector<1x336x128xf32> to vector<336x128xf32>
    %swap3A_155 = vector.shape_cast %dot_general3A_149 : vector<336x128xf32> to vector<1x336x128xf32>
    tpu.vector_store %arg4[%swap3A_150, %swap3A_151, %swap3A_152], %swap3A_155 {strides = array<i32>} : memref<16x336x128xf32, #tpu.memory_space<vmem>>, vector<1x336x128xf32>,
    %slice3A_156 = vector.extract_strided_slice %div3A_16 {offsets = [13, 0, 0], sizes = [1, 720, 128], strides = [1, 1, 1]} : vector<16x720x128xf32> to vector<1x720x128xf32>
    %squeeze3A_157 = vector.shape_cast %slice3A_156 : vector<1x720x128xf32> to vector<720x128xf32>
    %dot_general3A_158 = arith.constant dense<0.000000e+00> : vector<336x128xf32>
    %dot_general3A_159 = tpu.matmul %get3A_28, %squeeze3A_157, %dot_general3A_158 {dimension_numbers = #tpu.dot_dimension_numbers<[1], [0], [0], [1], [0, 0, 1, 1], [], []>, transpose_lhs_hint = false} : vector<336x720xf32>, vector<720x128xf32>, vector<336x128xf32> -> vector<336x128xf32>
    %swap3A_160 = arith.constant 13 : index
    %swap3A_161 = arith.constant 0 : index
    %swap3A_162 = arith.constant 0 : index
    %swap3A_163 = vector.load %arg4[%swap3A_160, %swap3A_161, %swap3A_162] : memref<16x336x128xf32, #tpu.memory_space<vmem>>, vector<1x336x128xf32>
    %swap3A_164 = vector.shape_cast %swap3A_163 : vector<1x336x128xf32> to vector<336x128xf32>
    %swap3A_165 = vector.shape_cast %dot_general3A_159 : vector<336x128xf32> to vector<1x336x128xf32>
    tpu.vector_store %arg4[%swap3A_160, %swap3A_161, %swap3A_162], %swap3A_165 {strides = array<i32>} : memref<16x336x128xf32, #tpu.memory_space<vmem>>, vector<1x336x128xf32>,
    %slice3A_166 = vector.extract_strided_slice %div3A_16 {offsets = [14, 0, 0], sizes = [1, 720, 128], strides = [1, 1, 1]} : vector<16x720x128xf32> to vector<1x720x128xf32>
    %squeeze3A_167 = vector.shape_cast %slice3A_166 : vector<1x720x128xf32> to vector<720x128xf32>
    %dot_general3A_168 = arith.constant dense<0.000000e+00> : vector<336x128xf32>
    %dot_general3A_169 = tpu.matmul %get3A_28, %squeeze3A_167, %dot_general3A_168 {dimension_numbers = #tpu.dot_dimension_numbers<[1], [0], [0], [1], [0, 0, 1, 1], [], []>, transpose_lhs_hint = false} : vector<336x720xf32>, vector<720x128xf32>, vector<336x128xf32> -> vector<336x128xf32>
    %swap3A_170 = arith.constant 14 : index
    %swap3A_171 = arith.constant 0 : index
    %swap3A_172 = arith.constant 0 : index
    %swap3A_173 = vector.load %arg4[%swap3A_170, %swap3A_171, %swap3A_172] : memref<16x336x128xf32, #tpu.memory_space<vmem>>, vector<1x336x128xf32>
    %swap3A_174 = vector.shape_cast %swap3A_173 : vector<1x336x128xf32> to vector<336x128xf32>
    %swap3A_175 = vector.shape_cast %dot_general3A_169 : vector<336x128xf32> to vector<1x336x128xf32>
    tpu.vector_store %arg4[%swap3A_170, %swap3A_171, %swap3A_172], %swap3A_175 {strides = array<i32>} : memref<16x336x128xf32, #tpu.memory_space<vmem>>, vector<1x336x128xf32>,
    %slice3A_176 = vector.extract_strided_slice %div3A_16 {offsets = [15, 0, 0], sizes = [1, 720, 128], strides = [1, 1, 1]} : vector<16x720x128xf32> to vector<1x720x128xf32>
    %squeeze3A_177 = vector.shape_cast %slice3A_176 : vector<1x720x128xf32> to vector<720x128xf32>
    %dot_general3A_178 = arith.constant dense<0.000000e+00> : vector<336x128xf32>
    %dot_general3A_179 = tpu.matmul %get3A_28, %squeeze3A_177, %dot_general3A_178 {dimension_numbers = #tpu.dot_dimension_numbers<[1], [0], [0], [1], [0, 0, 1, 1], [], []>, transpose_lhs_hint = false} : vector<336x720xf32>, vector<720x128xf32>, vector<336x128xf32> -> vector<336x128xf32>
    %swap3A_180 = arith.constant 15 : index
    %swap3A_181 = arith.constant 0 : index
    %swap3A_182 = arith.constant 0 : index
    %swap3A_183 = vector.load %arg4[%swap3A_180, %swap3A_181, %swap3A_182] : memref<16x336x128xf32, #tpu.memory_space<vmem>>, vector<1x336x128xf32>
    %swap3A_184 = vector.shape_cast %swap3A_183 : vector<1x336x128xf32> to vector<336x128xf32>
    %swap3A_185 = vector.shape_cast %dot_general3A_179 : vector<336x128xf32> to vector<1x336x128xf32>
    tpu.vector_store %arg4[%swap3A_180, %swap3A_181, %swap3A_182], %swap3A_185 {strides = array<i32>} : memref<16x336x128xf32, #tpu.memory_space<vmem>>, vector<1x336x128xf32>,
    return
  }
  func.func @transform_0(%arg0: i32) -> (i32, i32, i32) {
    %c0_i32 = arith.constant 0 : i32
    %c0_i32_0 = arith.constant 0 : i32
    %c0_i32_1 = arith.constant 0 : i32
    return %c0_i32, %c0_i32_0, %arg0 : i32, i32, i32
  }
  func.func @transform_1(%arg0: i32) -> (i32, i32) {
    %c0_i32 = arith.constant 0 : i32
    %c0_i32_0 = arith.constant 0 : i32
    %c0_i32_1 = arith.constant 0 : i32
    return %c0_i32, %c0_i32_0 : i32, i32
  }
  func.func @transform_2(%arg0: i32) -> (i32, i32, i32) {
    %c0_i32 = arith.constant 0 : i32
    %c0_i32_0 = arith.constant 0 : i32
    %c0_i32_1 = arith.constant 0 : i32
    return %c0_i32, %c0_i32_0, %arg0 : i32, i32, i32
  }
  func.func @transform_3(%arg0: i32) -> (i32, i32, i32) {
    %c0_i32 = arith.constant 0 : i32
    %c0_i32_0 = arith.constant 0 : i32
    %c0_i32_1 = arith.constant 0 : i32
    return %c0_i32, %c0_i32_0, %arg0 : i32, i32, i32
  }
  func.func @transform_4(%arg0: i32) -> (i32, i32) {
    %c0_i32 = arith.constant 0 : i32
    %c0_i32_0 = arith.constant 0 : i32
    return %c0_i32, %arg0 : i32, i32
  }
  func.func @transform_5(%arg0: i32) -> (i32, i32) {
    %c0_i32 = arith.constant 0 : i32
    %c0_i32_0 = arith.constant 0 : i32
    return %c0_i32, %arg0 : i32, i32
  }
}

module attributes {stable_mosaic.version = 14 : i64} {
  func.func @_stage_b_body(%arg0: i32, %arg1: memref<321x16x1152xf32, #tpu.memory_space<vmem>>, %arg2: memref<321x8xi32, #tpu.memory_space<smem>>, %arg3: memref<321x8xi32, #tpu.memory_space<smem>>, %arg4: memref<321x8xi32, #tpu.memory_space<smem>>, %arg5: memref<321x8xf32, #tpu.memory_space<smem>>, %arg6: memref<321x8xf32, #tpu.memory_space<smem>>, %arg7: memref<1x1x9xf32, #tpu.memory_space<vmem>>, %arg8: memref<1x16x1xf32, #tpu.memory_space<vmem>>, %arg9: memref<1x16x1xf32, #tpu.memory_space<vmem>>, %arg10: memref<1x16x336xf32, #tpu.memory_space<vmem>>, %arg11: memref<9x1x16x336xf32, #tpu.memory_space<vmem>>) attributes {dimension_semantics = [#tpu.dimension_semantics<arbitrary>], iteration_bounds = array<i64: 321>, scalar_prefetch = 0 : i64, scratch_operands = 0 : i64, tpu.core_type = #tpu.core_type<tc>, window_params = [{pipeline_mode = #tpu.pipeline_mode<synchronous>, transform_indices = @transform_0, window_bounds = array<i64: 321, 16, 1152>}, {transform_indices = @transform_1, window_bounds = array<i64: 321, 8>}, {transform_indices = @transform_2, window_bounds = array<i64: 321, 8>}, {transform_indices = @transform_3, window_bounds = array<i64: 321, 8>}, {transform_indices = @transform_4, window_bounds = array<i64: 321, 8>}, {transform_indices = @transform_5, window_bounds = array<i64: 321, 8>}, {transform_indices = @transform_6, window_bounds = array<i64: 1, 1, 9>}, {transform_indices = @transform_7, window_bounds = array<i64: 1, 16, 1>}, {transform_indices = @transform_8, window_bounds = array<i64: 1, 16, 1>}, {transform_indices = @transform_9, window_bounds = array<i64: 1, 16, 336>}, {transform_indices = @transform_10, window_bounds = array<i64: 9, 1, 16, 336>}]} {
    %get3A = arith.index_cast %arg0 : i32 to index
    %get3A_0 = arith.constant 0 : index
    %get3A_1 = arith.constant 720 : index
    %get3A_2 = vector.load %arg1[%get3A, %get3A_0, %get3A_1] : memref<321x16x1152xf32, #tpu.memory_space<vmem>>, vector<1x16x336xf32>
    %get3A_3 = vector.shape_cast %get3A_2 : vector<1x16x336xf32> to vector<16x336xf32>
    %swap3A = arith.constant 0 : index
    %swap3A_4 = arith.constant 0 : index
    %swap3A_5 = arith.constant 0 : index
    %swap3A_6 = arith.constant 0 : index
    %swap3A_7 = vector.load %arg11[%swap3A, %swap3A_4, %swap3A_5, %swap3A_6] : memref<9x1x16x336xf32, #tpu.memory_space<vmem>>, vector<1x1x16x336xf32>
    %swap3A_8 = vector.shape_cast %swap3A_7 : vector<1x1x16x336xf32> to vector<16x336xf32>
    %swap3A_9 = vector.shape_cast %get3A_3 : vector<16x336xf32> to vector<1x1x16x336xf32>
    tpu.vector_store %arg11[%swap3A, %swap3A_4, %swap3A_5, %swap3A_6], %swap3A_9 {strides = array<i32>} : memref<9x1x16x336xf32, #tpu.memory_space<vmem>>, vector<1x1x16x336xf32>,
    %get3A_10 = arith.constant 0 : index
    %get3A_11 = arith.constant 0 : index
    %get3A_12 = arith.constant 0 : index
    %get3A_13 = vector.load %arg7[%get3A_10, %get3A_11, %get3A_12] : memref<1x1x9xf32, #tpu.memory_space<vmem>>, vector<1x1x9xf32>
    %get3A_14 = vector.shape_cast %get3A_13 : vector<1x1x9xf32> to vector<1x9xf32>
    %reduce_max3A = arith.constant dense<0xFF800000> : vector<1xf32>
    %reduce_max3A_15 = vector.multi_reduction <maximumf>, %get3A_14, %reduce_max3A [1] : vector<1x9xf32> to vector<1xf32>
    %broadcast_in_dim3A = vector.shape_cast %reduce_max3A_15 : vector<1xf32> to vector<1x1xf32>
    %sub3A = vector.broadcast %broadcast_in_dim3A : vector<1x1xf32> to vector<1x9xf32>
    %sub3A_16 = arith.subf %get3A_14, %sub3A : vector<1x9xf32>
    %exp3A = math.exp %sub3A_16 : vector<1x9xf32>
    %reduce_sum3A = arith.constant dense<0.000000e+00> : vector<1xf32>
    %reduce_sum3A_17 = vector.multi_reduction <add>, %exp3A, %reduce_sum3A [1] : vector<1x9xf32> to vector<1xf32>
    %broadcast_in_dim3A_18 = vector.shape_cast %reduce_sum3A_17 : vector<1xf32> to vector<1x1xf32>
    %div3A = vector.broadcast %broadcast_in_dim3A_18 : vector<1x1xf32> to vector<1x9xf32>
    %div3A_19 = arith.divf %exp3A, %div3A : vector<1x9xf32>
    %slice3A = vector.extract_strided_slice %div3A_19 {offsets = [0, 0], sizes = [1, 1], strides = [1, 1]} : vector<1x9xf32> to vector<1x1xf32>
    %mul3A = vector.broadcast %slice3A : vector<1x1xf32> to vector<16x336xf32>
    %mul3A_20 = arith.mulf %mul3A, %get3A_3 : vector<16x336xf32>
    %get3A_21 = arith.index_cast %arg0 : i32 to index
    %get3A_22 = arith.constant 0 : index
    %get3A_23 = memref.load %arg2[%get3A_21, %get3A_22] : memref<321x8xi32, #tpu.memory_space<smem>>
    %get3A_24 = arith.index_cast %arg0 : i32 to index
    %get3A_25 = arith.constant 0 : index
    %get3A_26 = memref.load %arg3[%get3A_24, %get3A_25] : memref<321x8xi32, #tpu.memory_space<smem>>
    %get3A_27 = arith.index_cast %arg0 : i32 to index
    %get3A_28 = arith.constant 0 : index
    %get3A_29 = memref.load %arg4[%get3A_27, %get3A_28] : memref<321x8xi32, #tpu.memory_space<smem>>
    %jit3A = arith.constant 128 : i32
    %div3A_30 = arith.divsi %get3A_26, %jit3A : i32
    %sign3A = arith.constant 0 : i32
    %sign3A_31 = arith.cmpi sgt, %get3A_26, %sign3A : i32
    %sign3A_32 = arith.extui %sign3A_31 : i1 to i32
    %sign3A_33 = arith.constant 0 : i32
    %sign3A_34 = arith.cmpi slt, %get3A_26, %sign3A_33 : i32
    %sign3A_35 = arith.extui %sign3A_34 : i1 to i32
    %sign3A_36 = arith.subi %sign3A_32, %sign3A_35 : i32
    %sign3A_37 = arith.constant 0 : i32
    %sign3A_38 = arith.cmpi sgt, %jit3A, %sign3A_37 : i32
    %sign3A_39 = arith.extui %sign3A_38 : i1 to i32
    %sign3A_40 = arith.constant 0 : i32
    %sign3A_41 = arith.cmpi slt, %jit3A, %sign3A_40 : i32
    %sign3A_42 = arith.extui %sign3A_41 : i1 to i32
    %sign3A_43 = arith.subi %sign3A_39, %sign3A_42 : i32
    %ne3A = arith.cmpi ne, %sign3A_36, %sign3A_43 : i32
    %rem3A = arith.remsi %get3A_26, %jit3A : i32
    %ne3A_44 = arith.constant 0 : i32
    %ne3A_45 = arith.cmpi ne, %rem3A, %ne3A_44 : i32
    %and3A = arith.andi %ne3A, %ne3A_45 : i1
    %sub3A_46 = arith.constant 1 : i32
    %sub3A_47 = arith.subi %div3A_30, %sub3A_46 : i32
    %select_n3A = arith.select %and3A, %sub3A_47, %div3A_30 : i32
    %mul3A_48 = arith.constant 128 : i32
    %mul3A_49 = arith.muli %select_n3A, %mul3A_48 : i32
    %multiple_of3A = tpu.assume_multiple %mul3A_49, 128 : i32
    %sub3A_50 = arith.subi %get3A_26, %multiple_of3A : i32
    %get3A_51 = arith.index_cast %get3A_23 : i32 to index
    %get3A_52 = arith.constant 0 : index
    %get3A_53 = arith.index_cast %multiple_of3A : i32 to index
    %get3A_54 = vector.load %arg1[%get3A_51, %get3A_52, %get3A_53] : memref<321x16x1152xf32, #tpu.memory_space<vmem>>, vector<1x16x512xf32>
    %get3A_55 = vector.shape_cast %get3A_54 : vector<1x16x512xf32> to vector<16x512xf32>
    %sub3A_56 = arith.constant 512 : i32
    %sub3A_57 = arith.subi %sub3A_56, %sub3A_50 : i32
    %roll3A = tpu.dynamic_rotate %get3A_55 by %sub3A_57 dim 1 : vector<16x512xf32>, i32 -> vector<16x512xf32>
    %slice3A_58 = vector.extract_strided_slice %roll3A {offsets = [0, 0], sizes = [16, 336], strides = [1, 1]} : vector<16x512xf32> to vector<16x336xf32>
    %add3A = arith.addi %sub3A_50, %get3A_29 : i32
    %sub3A_59 = arith.constant 512 : i32
    %sub3A_60 = arith.subi %sub3A_59, %add3A : i32
    %roll3A_61 = tpu.dynamic_rotate %get3A_55 by %sub3A_60 dim 1 : vector<16x512xf32>, i32 -> vector<16x512xf32>
    %slice3A_62 = vector.extract_strided_slice %roll3A_61 {offsets = [0, 0], sizes = [16, 336], strides = [1, 1]} : vector<16x512xf32> to vector<16x336xf32>
    %get3A_63 = arith.index_cast %arg0 : i32 to index
    %get3A_64 = arith.constant 0 : index
    %get3A_65 = memref.load %arg5[%get3A_63, %get3A_64] : memref<321x8xf32, #tpu.memory_space<smem>>
    %mul3A_66 = vector.broadcast %get3A_65 : f32 to vector<16x336xf32>
    %mul3A_67 = arith.mulf %slice3A_62, %mul3A_66 : vector<16x336xf32>
    %get3A_68 = arith.index_cast %arg0 : i32 to index
    %get3A_69 = arith.constant 0 : index
    %get3A_70 = memref.load %arg6[%get3A_68, %get3A_69] : memref<321x8xf32, #tpu.memory_space<smem>>
    %mul3A_71 = vector.broadcast %get3A_70 : f32 to vector<16x336xf32>
    %mul3A_72 = arith.mulf %slice3A_58, %mul3A_71 : vector<16x336xf32>
    %add3A_73 = arith.addf %mul3A_67, %mul3A_72 : vector<16x336xf32>
    %swap3A_74 = arith.constant 1 : index
    %swap3A_75 = arith.constant 0 : index
    %swap3A_76 = arith.constant 0 : index
    %swap3A_77 = arith.constant 0 : index
    %swap3A_78 = vector.load %arg11[%swap3A_74, %swap3A_75, %swap3A_76, %swap3A_77] : memref<9x1x16x336xf32, #tpu.memory_space<vmem>>, vector<1x1x16x336xf32>
    %swap3A_79 = vector.shape_cast %swap3A_78 : vector<1x1x16x336xf32> to vector<16x336xf32>
    %swap3A_80 = vector.shape_cast %add3A_73 : vector<16x336xf32> to vector<1x1x16x336xf32>
    tpu.vector_store %arg11[%swap3A_74, %swap3A_75, %swap3A_76, %swap3A_77], %swap3A_80 {strides = array<i32>} : memref<9x1x16x336xf32, #tpu.memory_space<vmem>>, vector<1x1x16x336xf32>,
    %slice3A_81 = vector.extract_strided_slice %div3A_19 {offsets = [0, 1], sizes = [1, 1], strides = [1, 1]} : vector<1x9xf32> to vector<1x1xf32>
    %mul3A_82 = vector.broadcast %slice3A_81 : vector<1x1xf32> to vector<16x336xf32>
    %mul3A_83 = arith.mulf %mul3A_82, %add3A_73 : vector<16x336xf32>
    %add3A_84 = arith.addf %mul3A_20, %mul3A_83 : vector<16x336xf32>
    %get3A_85 = arith.index_cast %arg0 : i32 to index
    %get3A_86 = arith.constant 1 : index
    %get3A_87 = memref.load %arg2[%get3A_85, %get3A_86] : memref<321x8xi32, #tpu.memory_space<smem>>
    %get3A_88 = arith.index_cast %arg0 : i32 to index
    %get3A_89 = arith.constant 1 : index
    %get3A_90 = memref.load %arg3[%get3A_88, %get3A_89] : memref<321x8xi32, #tpu.memory_space<smem>>
    %get3A_91 = arith.index_cast %arg0 : i32 to index
    %get3A_92 = arith.constant 1 : index
    %get3A_93 = memref.load %arg4[%get3A_91, %get3A_92] : memref<321x8xi32, #tpu.memory_space<smem>>
    %jit3A_94 = arith.constant 128 : i32
    %div3A_95 = arith.divsi %get3A_90, %jit3A_94 : i32
    %sign3A_96 = arith.constant 0 : i32
    %sign3A_97 = arith.cmpi sgt, %get3A_90, %sign3A_96 : i32
    %sign3A_98 = arith.extui %sign3A_97 : i1 to i32
    %sign3A_99 = arith.constant 0 : i32
    %sign3A_100 = arith.cmpi slt, %get3A_90, %sign3A_99 : i32
    %sign3A_101 = arith.extui %sign3A_100 : i1 to i32
    %sign3A_102 = arith.subi %sign3A_98, %sign3A_101 : i32
    %sign3A_103 = arith.constant 0 : i32
    %sign3A_104 = arith.cmpi sgt, %jit3A_94, %sign3A_103 : i32
    %sign3A_105 = arith.extui %sign3A_104 : i1 to i32
    %sign3A_106 = arith.constant 0 : i32
    %sign3A_107 = arith.cmpi slt, %jit3A_94, %sign3A_106 : i32
    %sign3A_108 = arith.extui %sign3A_107 : i1 to i32
    %sign3A_109 = arith.subi %sign3A_105, %sign3A_108 : i32
    %ne3A_110 = arith.cmpi ne, %sign3A_102, %sign3A_109 : i32
    %rem3A_111 = arith.remsi %get3A_90, %jit3A_94 : i32
    %ne3A_112 = arith.constant 0 : i32
    %ne3A_113 = arith.cmpi ne, %rem3A_111, %ne3A_112 : i32
    %and3A_114 = arith.andi %ne3A_110, %ne3A_113 : i1
    %sub3A_115 = arith.constant 1 : i32
    %sub3A_116 = arith.subi %div3A_95, %sub3A_115 : i32
    %select_n3A_117 = arith.select %and3A_114, %sub3A_116, %div3A_95 : i32
    %mul3A_118 = arith.constant 128 : i32
    %mul3A_119 = arith.muli %select_n3A_117, %mul3A_118 : i32
    %multiple_of3A_120 = tpu.assume_multiple %mul3A_119, 128 : i32
    %sub3A_121 = arith.subi %get3A_90, %multiple_of3A_120 : i32
    %get3A_122 = arith.index_cast %get3A_87 : i32 to index
    %get3A_123 = arith.constant 0 : index
    %get3A_124 = arith.index_cast %multiple_of3A_120 : i32 to index
    %get3A_125 = vector.load %arg1[%get3A_122, %get3A_123, %get3A_124] : memref<321x16x1152xf32, #tpu.memory_space<vmem>>, vector<1x16x512xf32>
    %get3A_126 = vector.shape_cast %get3A_125 : vector<1x16x512xf32> to vector<16x512xf32>
    %sub3A_127 = arith.constant 512 : i32
    %sub3A_128 = arith.subi %sub3A_127, %sub3A_121 : i32
    %roll3A_129 = tpu.dynamic_rotate %get3A_126 by %sub3A_128 dim 1 : vector<16x512xf32>, i32 -> vector<16x512xf32>
    %slice3A_130 = vector.extract_strided_slice %roll3A_129 {offsets = [0, 0], sizes = [16, 336], strides = [1, 1]} : vector<16x512xf32> to vector<16x336xf32>
    %add3A_131 = arith.addi %sub3A_121, %get3A_93 : i32
    %sub3A_132 = arith.constant 512 : i32
    %sub3A_133 = arith.subi %sub3A_132, %add3A_131 : i32
    %roll3A_134 = tpu.dynamic_rotate %get3A_126 by %sub3A_133 dim 1 : vector<16x512xf32>, i32 -> vector<16x512xf32>
    %slice3A_135 = vector.extract_strided_slice %roll3A_134 {offsets = [0, 0], sizes = [16, 336], strides = [1, 1]} : vector<16x512xf32> to vector<16x336xf32>
    %get3A_136 = arith.index_cast %arg0 : i32 to index
    %get3A_137 = arith.constant 1 : index
    %get3A_138 = memref.load %arg5[%get3A_136, %get3A_137] : memref<321x8xf32, #tpu.memory_space<smem>>
    %mul3A_139 = vector.broadcast %get3A_138 : f32 to vector<16x336xf32>
    %mul3A_140 = arith.mulf %slice3A_135, %mul3A_139 : vector<16x336xf32>
    %get3A_141 = arith.index_cast %arg0 : i32 to index
    %get3A_142 = arith.constant 1 : index
    %get3A_143 = memref.load %arg6[%get3A_141, %get3A_142] : memref<321x8xf32, #tpu.memory_space<smem>>
    %mul3A_144 = vector.broadcast %get3A_143 : f32 to vector<16x336xf32>
    %mul3A_145 = arith.mulf %slice3A_130, %mul3A_144 : vector<16x336xf32>
    %add3A_146 = arith.addf %mul3A_140, %mul3A_145 : vector<16x336xf32>
    %swap3A_147 = arith.constant 2 : index
    %swap3A_148 = arith.constant 0 : index
    %swap3A_149 = arith.constant 0 : index
    %swap3A_150 = arith.constant 0 : index
    %swap3A_151 = vector.load %arg11[%swap3A_147, %swap3A_148, %swap3A_149, %swap3A_150] : memref<9x1x16x336xf32, #tpu.memory_space<vmem>>, vector<1x1x16x336xf32>
    %swap3A_152 = vector.shape_cast %swap3A_151 : vector<1x1x16x336xf32> to vector<16x336xf32>
    %swap3A_153 = vector.shape_cast %add3A_146 : vector<16x336xf32> to vector<1x1x16x336xf32>
    tpu.vector_store %arg11[%swap3A_147, %swap3A_148, %swap3A_149, %swap3A_150], %swap3A_153 {strides = array<i32>} : memref<9x1x16x336xf32, #tpu.memory_space<vmem>>, vector<1x1x16x336xf32>,
    %slice3A_154 = vector.extract_strided_slice %div3A_19 {offsets = [0, 2], sizes = [1, 1], strides = [1, 1]} : vector<1x9xf32> to vector<1x1xf32>
    %mul3A_155 = vector.broadcast %slice3A_154 : vector<1x1xf32> to vector<16x336xf32>
    %mul3A_156 = arith.mulf %mul3A_155, %add3A_146 : vector<16x336xf32>
    %add3A_157 = arith.addf %add3A_84, %mul3A_156 : vector<16x336xf32>
    %get3A_158 = arith.index_cast %arg0 : i32 to index
    %get3A_159 = arith.constant 2 : index
    %get3A_160 = memref.load %arg2[%get3A_158, %get3A_159] : memref<321x8xi32, #tpu.memory_space<smem>>
    %get3A_161 = arith.index_cast %arg0 : i32 to index
    %get3A_162 = arith.constant 2 : index
    %get3A_163 = memref.load %arg3[%get3A_161, %get3A_162] : memref<321x8xi32, #tpu.memory_space<smem>>
    %get3A_164 = arith.index_cast %arg0 : i32 to index
    %get3A_165 = arith.constant 2 : index
    %get3A_166 = memref.load %arg4[%get3A_164, %get3A_165] : memref<321x8xi32, #tpu.memory_space<smem>>
    %jit3A_167 = arith.constant 128 : i32
    %div3A_168 = arith.divsi %get3A_163, %jit3A_167 : i32
    %sign3A_169 = arith.constant 0 : i32
    %sign3A_170 = arith.cmpi sgt, %get3A_163, %sign3A_169 : i32
    %sign3A_171 = arith.extui %sign3A_170 : i1 to i32
    %sign3A_172 = arith.constant 0 : i32
    %sign3A_173 = arith.cmpi slt, %get3A_163, %sign3A_172 : i32
    %sign3A_174 = arith.extui %sign3A_173 : i1 to i32
    %sign3A_175 = arith.subi %sign3A_171, %sign3A_174 : i32
    %sign3A_176 = arith.constant 0 : i32
    %sign3A_177 = arith.cmpi sgt, %jit3A_167, %sign3A_176 : i32
    %sign3A_178 = arith.extui %sign3A_177 : i1 to i32
    %sign3A_179 = arith.constant 0 : i32
    %sign3A_180 = arith.cmpi slt, %jit3A_167, %sign3A_179 : i32
    %sign3A_181 = arith.extui %sign3A_180 : i1 to i32
    %sign3A_182 = arith.subi %sign3A_178, %sign3A_181 : i32
    %ne3A_183 = arith.cmpi ne, %sign3A_175, %sign3A_182 : i32
    %rem3A_184 = arith.remsi %get3A_163, %jit3A_167 : i32
    %ne3A_185 = arith.constant 0 : i32
    %ne3A_186 = arith.cmpi ne, %rem3A_184, %ne3A_185 : i32
    %and3A_187 = arith.andi %ne3A_183, %ne3A_186 : i1
    %sub3A_188 = arith.constant 1 : i32
    %sub3A_189 = arith.subi %div3A_168, %sub3A_188 : i32
    %select_n3A_190 = arith.select %and3A_187, %sub3A_189, %div3A_168 : i32
    %mul3A_191 = arith.constant 128 : i32
    %mul3A_192 = arith.muli %select_n3A_190, %mul3A_191 : i32
    %multiple_of3A_193 = tpu.assume_multiple %mul3A_192, 128 : i32
    %sub3A_194 = arith.subi %get3A_163, %multiple_of3A_193 : i32
    %get3A_195 = arith.index_cast %get3A_160 : i32 to index
    %get3A_196 = arith.constant 0 : index
    %get3A_197 = arith.index_cast %multiple_of3A_193 : i32 to index
    %get3A_198 = vector.load %arg1[%get3A_195, %get3A_196, %get3A_197] : memref<321x16x1152xf32, #tpu.memory_space<vmem>>, vector<1x16x512xf32>
    %get3A_199 = vector.shape_cast %get3A_198 : vector<1x16x512xf32> to vector<16x512xf32>
    %sub3A_200 = arith.constant 512 : i32
    %sub3A_201 = arith.subi %sub3A_200, %sub3A_194 : i32
    %roll3A_202 = tpu.dynamic_rotate %get3A_199 by %sub3A_201 dim 1 : vector<16x512xf32>, i32 -> vector<16x512xf32>
    %slice3A_203 = vector.extract_strided_slice %roll3A_202 {offsets = [0, 0], sizes = [16, 336], strides = [1, 1]} : vector<16x512xf32> to vector<16x336xf32>
    %add3A_204 = arith.addi %sub3A_194, %get3A_166 : i32
    %sub3A_205 = arith.constant 512 : i32
    %sub3A_206 = arith.subi %sub3A_205, %add3A_204 : i32
    %roll3A_207 = tpu.dynamic_rotate %get3A_199 by %sub3A_206 dim 1 : vector<16x512xf32>, i32 -> vector<16x512xf32>
    %slice3A_208 = vector.extract_strided_slice %roll3A_207 {offsets = [0, 0], sizes = [16, 336], strides = [1, 1]} : vector<16x512xf32> to vector<16x336xf32>
    %get3A_209 = arith.index_cast %arg0 : i32 to index
    %get3A_210 = arith.constant 2 : index
    %get3A_211 = memref.load %arg5[%get3A_209, %get3A_210] : memref<321x8xf32, #tpu.memory_space<smem>>
    %mul3A_212 = vector.broadcast %get3A_211 : f32 to vector<16x336xf32>
    %mul3A_213 = arith.mulf %slice3A_208, %mul3A_212 : vector<16x336xf32>
    %get3A_214 = arith.index_cast %arg0 : i32 to index
    %get3A_215 = arith.constant 2 : index
    %get3A_216 = memref.load %arg6[%get3A_214, %get3A_215] : memref<321x8xf32, #tpu.memory_space<smem>>
    %mul3A_217 = vector.broadcast %get3A_216 : f32 to vector<16x336xf32>
    %mul3A_218 = arith.mulf %slice3A_203, %mul3A_217 : vector<16x336xf32>
    %add3A_219 = arith.addf %mul3A_213, %mul3A_218 : vector<16x336xf32>
    %swap3A_220 = arith.constant 3 : index
    %swap3A_221 = arith.constant 0 : index
    %swap3A_222 = arith.constant 0 : index
    %swap3A_223 = arith.constant 0 : index
    %swap3A_224 = vector.load %arg11[%swap3A_220, %swap3A_221, %swap3A_222, %swap3A_223] : memref<9x1x16x336xf32, #tpu.memory_space<vmem>>, vector<1x1x16x336xf32>
    %swap3A_225 = vector.shape_cast %swap3A_224 : vector<1x1x16x336xf32> to vector<16x336xf32>
    %swap3A_226 = vector.shape_cast %add3A_219 : vector<16x336xf32> to vector<1x1x16x336xf32>
    tpu.vector_store %arg11[%swap3A_220, %swap3A_221, %swap3A_222, %swap3A_223], %swap3A_226 {strides = array<i32>} : memref<9x1x16x336xf32, #tpu.memory_space<vmem>>, vector<1x1x16x336xf32>,
    %slice3A_227 = vector.extract_strided_slice %div3A_19 {offsets = [0, 3], sizes = [1, 1], strides = [1, 1]} : vector<1x9xf32> to vector<1x1xf32>
    %mul3A_228 = vector.broadcast %slice3A_227 : vector<1x1xf32> to vector<16x336xf32>
    %mul3A_229 = arith.mulf %mul3A_228, %add3A_219 : vector<16x336xf32>
    %add3A_230 = arith.addf %add3A_157, %mul3A_229 : vector<16x336xf32>
    %get3A_231 = arith.index_cast %arg0 : i32 to index
    %get3A_232 = arith.constant 3 : index
    %get3A_233 = memref.load %arg2[%get3A_231, %get3A_232] : memref<321x8xi32, #tpu.memory_space<smem>>
    %get3A_234 = arith.index_cast %arg0 : i32 to index
    %get3A_235 = arith.constant 3 : index
    %get3A_236 = memref.load %arg3[%get3A_234, %get3A_235] : memref<321x8xi32, #tpu.memory_space<smem>>
    %get3A_237 = arith.index_cast %arg0 : i32 to index
    %get3A_238 = arith.constant 3 : index
    %get3A_239 = memref.load %arg4[%get3A_237, %get3A_238] : memref<321x8xi32, #tpu.memory_space<smem>>
    %jit3A_240 = arith.constant 128 : i32
    %div3A_241 = arith.divsi %get3A_236, %jit3A_240 : i32
    %sign3A_242 = arith.constant 0 : i32
    %sign3A_243 = arith.cmpi sgt, %get3A_236, %sign3A_242 : i32
    %sign3A_244 = arith.extui %sign3A_243 : i1 to i32
    %sign3A_245 = arith.constant 0 : i32
    %sign3A_246 = arith.cmpi slt, %get3A_236, %sign3A_245 : i32
    %sign3A_247 = arith.extui %sign3A_246 : i1 to i32
    %sign3A_248 = arith.subi %sign3A_244, %sign3A_247 : i32
    %sign3A_249 = arith.constant 0 : i32
    %sign3A_250 = arith.cmpi sgt, %jit3A_240, %sign3A_249 : i32
    %sign3A_251 = arith.extui %sign3A_250 : i1 to i32
    %sign3A_252 = arith.constant 0 : i32
    %sign3A_253 = arith.cmpi slt, %jit3A_240, %sign3A_252 : i32
    %sign3A_254 = arith.extui %sign3A_253 : i1 to i32
    %sign3A_255 = arith.subi %sign3A_251, %sign3A_254 : i32
    %ne3A_256 = arith.cmpi ne, %sign3A_248, %sign3A_255 : i32
    %rem3A_257 = arith.remsi %get3A_236, %jit3A_240 : i32
    %ne3A_258 = arith.constant 0 : i32
    %ne3A_259 = arith.cmpi ne, %rem3A_257, %ne3A_258 : i32
    %and3A_260 = arith.andi %ne3A_256, %ne3A_259 : i1
    %sub3A_261 = arith.constant 1 : i32
    %sub3A_262 = arith.subi %div3A_241, %sub3A_261 : i32
    %select_n3A_263 = arith.select %and3A_260, %sub3A_262, %div3A_241 : i32
    %mul3A_264 = arith.constant 128 : i32
    %mul3A_265 = arith.muli %select_n3A_263, %mul3A_264 : i32
    %multiple_of3A_266 = tpu.assume_multiple %mul3A_265, 128 : i32
    %sub3A_267 = arith.subi %get3A_236, %multiple_of3A_266 : i32
    %get3A_268 = arith.index_cast %get3A_233 : i32 to index
    %get3A_269 = arith.constant 0 : index
    %get3A_270 = arith.index_cast %multiple_of3A_266 : i32 to index
    %get3A_271 = vector.load %arg1[%get3A_268, %get3A_269, %get3A_270] : memref<321x16x1152xf32, #tpu.memory_space<vmem>>, vector<1x16x512xf32>
    %get3A_272 = vector.shape_cast %get3A_271 : vector<1x16x512xf32> to vector<16x512xf32>
    %sub3A_273 = arith.constant 512 : i32
    %sub3A_274 = arith.subi %sub3A_273, %sub3A_267 : i32
    %roll3A_275 = tpu.dynamic_rotate %get3A_272 by %sub3A_274 dim 1 : vector<16x512xf32>, i32 -> vector<16x512xf32>
    %slice3A_276 = vector.extract_strided_slice %roll3A_275 {offsets = [0, 0], sizes = [16, 336], strides = [1, 1]} : vector<16x512xf32> to vector<16x336xf32>
    %add3A_277 = arith.addi %sub3A_267, %get3A_239 : i32
    %sub3A_278 = arith.constant 512 : i32
    %sub3A_279 = arith.subi %sub3A_278, %add3A_277 : i32
    %roll3A_280 = tpu.dynamic_rotate %get3A_272 by %sub3A_279 dim 1 : vector<16x512xf32>, i32 -> vector<16x512xf32>
    %slice3A_281 = vector.extract_strided_slice %roll3A_280 {offsets = [0, 0], sizes = [16, 336], strides = [1, 1]} : vector<16x512xf32> to vector<16x336xf32>
    %get3A_282 = arith.index_cast %arg0 : i32 to index
    %get3A_283 = arith.constant 3 : index
    %get3A_284 = memref.load %arg5[%get3A_282, %get3A_283] : memref<321x8xf32, #tpu.memory_space<smem>>
    %mul3A_285 = vector.broadcast %get3A_284 : f32 to vector<16x336xf32>
    %mul3A_286 = arith.mulf %slice3A_281, %mul3A_285 : vector<16x336xf32>
    %get3A_287 = arith.index_cast %arg0 : i32 to index
    %get3A_288 = arith.constant 3 : index
    %get3A_289 = memref.load %arg6[%get3A_287, %get3A_288] : memref<321x8xf32, #tpu.memory_space<smem>>
    %mul3A_290 = vector.broadcast %get3A_289 : f32 to vector<16x336xf32>
    %mul3A_291 = arith.mulf %slice3A_276, %mul3A_290 : vector<16x336xf32>
    %add3A_292 = arith.addf %mul3A_286, %mul3A_291 : vector<16x336xf32>
    %swap3A_293 = arith.constant 4 : index
    %swap3A_294 = arith.constant 0 : index
    %swap3A_295 = arith.constant 0 : index
    %swap3A_296 = arith.constant 0 : index
    %swap3A_297 = vector.load %arg11[%swap3A_293, %swap3A_294, %swap3A_295, %swap3A_296] : memref<9x1x16x336xf32, #tpu.memory_space<vmem>>, vector<1x1x16x336xf32>
    %swap3A_298 = vector.shape_cast %swap3A_297 : vector<1x1x16x336xf32> to vector<16x336xf32>
    %swap3A_299 = vector.shape_cast %add3A_292 : vector<16x336xf32> to vector<1x1x16x336xf32>
    tpu.vector_store %arg11[%swap3A_293, %swap3A_294, %swap3A_295, %swap3A_296], %swap3A_299 {strides = array<i32>} : memref<9x1x16x336xf32, #tpu.memory_space<vmem>>, vector<1x1x16x336xf32>,
    %slice3A_300 = vector.extract_strided_slice %div3A_19 {offsets = [0, 4], sizes = [1, 1], strides = [1, 1]} : vector<1x9xf32> to vector<1x1xf32>
    %mul3A_301 = vector.broadcast %slice3A_300 : vector<1x1xf32> to vector<16x336xf32>
    %mul3A_302 = arith.mulf %mul3A_301, %add3A_292 : vector<16x336xf32>
    %add3A_303 = arith.addf %add3A_230, %mul3A_302 : vector<16x336xf32>
    %get3A_304 = arith.index_cast %arg0 : i32 to index
    %get3A_305 = arith.constant 4 : index
    %get3A_306 = memref.load %arg2[%get3A_304, %get3A_305] : memref<321x8xi32, #tpu.memory_space<smem>>
    %get3A_307 = arith.index_cast %arg0 : i32 to index
    %get3A_308 = arith.constant 4 : index
    %get3A_309 = memref.load %arg3[%get3A_307, %get3A_308] : memref<321x8xi32, #tpu.memory_space<smem>>
    %get3A_310 = arith.index_cast %arg0 : i32 to index
    %get3A_311 = arith.constant 4 : index
    %get3A_312 = memref.load %arg4[%get3A_310, %get3A_311] : memref<321x8xi32, #tpu.memory_space<smem>>
    %jit3A_313 = arith.constant 128 : i32
    %div3A_314 = arith.divsi %get3A_309, %jit3A_313 : i32
    %sign3A_315 = arith.constant 0 : i32
    %sign3A_316 = arith.cmpi sgt, %get3A_309, %sign3A_315 : i32
    %sign3A_317 = arith.extui %sign3A_316 : i1 to i32
    %sign3A_318 = arith.constant 0 : i32
    %sign3A_319 = arith.cmpi slt, %get3A_309, %sign3A_318 : i32
    %sign3A_320 = arith.extui %sign3A_319 : i1 to i32
    %sign3A_321 = arith.subi %sign3A_317, %sign3A_320 : i32
    %sign3A_322 = arith.constant 0 : i32
    %sign3A_323 = arith.cmpi sgt, %jit3A_313, %sign3A_322 : i32
    %sign3A_324 = arith.extui %sign3A_323 : i1 to i32
    %sign3A_325 = arith.constant 0 : i32
    %sign3A_326 = arith.cmpi slt, %jit3A_313, %sign3A_325 : i32
    %sign3A_327 = arith.extui %sign3A_326 : i1 to i32
    %sign3A_328 = arith.subi %sign3A_324, %sign3A_327 : i32
    %ne3A_329 = arith.cmpi ne, %sign3A_321, %sign3A_328 : i32
    %rem3A_330 = arith.remsi %get3A_309, %jit3A_313 : i32
    %ne3A_331 = arith.constant 0 : i32
    %ne3A_332 = arith.cmpi ne, %rem3A_330, %ne3A_331 : i32
    %and3A_333 = arith.andi %ne3A_329, %ne3A_332 : i1
    %sub3A_334 = arith.constant 1 : i32
    %sub3A_335 = arith.subi %div3A_314, %sub3A_334 : i32
    %select_n3A_336 = arith.select %and3A_333, %sub3A_335, %div3A_314 : i32
    %mul3A_337 = arith.constant 128 : i32
    %mul3A_338 = arith.muli %select_n3A_336, %mul3A_337 : i32
    %multiple_of3A_339 = tpu.assume_multiple %mul3A_338, 128 : i32
    %sub3A_340 = arith.subi %get3A_309, %multiple_of3A_339 : i32
    %get3A_341 = arith.index_cast %get3A_306 : i32 to index
    %get3A_342 = arith.constant 0 : index
    %get3A_343 = arith.index_cast %multiple_of3A_339 : i32 to index
    %get3A_344 = vector.load %arg1[%get3A_341, %get3A_342, %get3A_343] : memref<321x16x1152xf32, #tpu.memory_space<vmem>>, vector<1x16x512xf32>
    %get3A_345 = vector.shape_cast %get3A_344 : vector<1x16x512xf32> to vector<16x512xf32>
    %sub3A_346 = arith.constant 512 : i32
    %sub3A_347 = arith.subi %sub3A_346, %sub3A_340 : i32
    %roll3A_348 = tpu.dynamic_rotate %get3A_345 by %sub3A_347 dim 1 : vector<16x512xf32>, i32 -> vector<16x512xf32>
    %slice3A_349 = vector.extract_strided_slice %roll3A_348 {offsets = [0, 0], sizes = [16, 336], strides = [1, 1]} : vector<16x512xf32> to vector<16x336xf32>
    %add3A_350 = arith.addi %sub3A_340, %get3A_312 : i32
    %sub3A_351 = arith.constant 512 : i32
    %sub3A_352 = arith.subi %sub3A_351, %add3A_350 : i32
    %roll3A_353 = tpu.dynamic_rotate %get3A_345 by %sub3A_352 dim 1 : vector<16x512xf32>, i32 -> vector<16x512xf32>
    %slice3A_354 = vector.extract_strided_slice %roll3A_353 {offsets = [0, 0], sizes = [16, 336], strides = [1, 1]} : vector<16x512xf32> to vector<16x336xf32>
    %get3A_355 = arith.index_cast %arg0 : i32 to index
    %get3A_356 = arith.constant 4 : index
    %get3A_357 = memref.load %arg5[%get3A_355, %get3A_356] : memref<321x8xf32, #tpu.memory_space<smem>>
    %mul3A_358 = vector.broadcast %get3A_357 : f32 to vector<16x336xf32>
    %mul3A_359 = arith.mulf %slice3A_354, %mul3A_358 : vector<16x336xf32>
    %get3A_360 = arith.index_cast %arg0 : i32 to index
    %get3A_361 = arith.constant 4 : index
    %get3A_362 = memref.load %arg6[%get3A_360, %get3A_361] : memref<321x8xf32, #tpu.memory_space<smem>>
    %mul3A_363 = vector.broadcast %get3A_362 : f32 to vector<16x336xf32>
    %mul3A_364 = arith.mulf %slice3A_349, %mul3A_363 : vector<16x336xf32>
    %add3A_365 = arith.addf %mul3A_359, %mul3A_364 : vector<16x336xf32>
    %swap3A_366 = arith.constant 5 : index
    %swap3A_367 = arith.constant 0 : index
    %swap3A_368 = arith.constant 0 : index
    %swap3A_369 = arith.constant 0 : index
    %swap3A_370 = vector.load %arg11[%swap3A_366, %swap3A_367, %swap3A_368, %swap3A_369] : memref<9x1x16x336xf32, #tpu.memory_space<vmem>>, vector<1x1x16x336xf32>
    %swap3A_371 = vector.shape_cast %swap3A_370 : vector<1x1x16x336xf32> to vector<16x336xf32>
    %swap3A_372 = vector.shape_cast %add3A_365 : vector<16x336xf32> to vector<1x1x16x336xf32>
    tpu.vector_store %arg11[%swap3A_366, %swap3A_367, %swap3A_368, %swap3A_369], %swap3A_372 {strides = array<i32>} : memref<9x1x16x336xf32, #tpu.memory_space<vmem>>, vector<1x1x16x336xf32>,
    %slice3A_373 = vector.extract_strided_slice %div3A_19 {offsets = [0, 5], sizes = [1, 1], strides = [1, 1]} : vector<1x9xf32> to vector<1x1xf32>
    %mul3A_374 = vector.broadcast %slice3A_373 : vector<1x1xf32> to vector<16x336xf32>
    %mul3A_375 = arith.mulf %mul3A_374, %add3A_365 : vector<16x336xf32>
    %add3A_376 = arith.addf %add3A_303, %mul3A_375 : vector<16x336xf32>
    %get3A_377 = arith.index_cast %arg0 : i32 to index
    %get3A_378 = arith.constant 5 : index
    %get3A_379 = memref.load %arg2[%get3A_377, %get3A_378] : memref<321x8xi32, #tpu.memory_space<smem>>
    %get3A_380 = arith.index_cast %arg0 : i32 to index
    %get3A_381 = arith.constant 5 : index
    %get3A_382 = memref.load %arg3[%get3A_380, %get3A_381] : memref<321x8xi32, #tpu.memory_space<smem>>
    %get3A_383 = arith.index_cast %arg0 : i32 to index
    %get3A_384 = arith.constant 5 : index
    %get3A_385 = memref.load %arg4[%get3A_383, %get3A_384] : memref<321x8xi32, #tpu.memory_space<smem>>
    %jit3A_386 = arith.constant 128 : i32
    %div3A_387 = arith.divsi %get3A_382, %jit3A_386 : i32
    %sign3A_388 = arith.constant 0 : i32
    %sign3A_389 = arith.cmpi sgt, %get3A_382, %sign3A_388 : i32
    %sign3A_390 = arith.extui %sign3A_389 : i1 to i32
    %sign3A_391 = arith.constant 0 : i32
    %sign3A_392 = arith.cmpi slt, %get3A_382, %sign3A_391 : i32
    %sign3A_393 = arith.extui %sign3A_392 : i1 to i32
    %sign3A_394 = arith.subi %sign3A_390, %sign3A_393 : i32
    %sign3A_395 = arith.constant 0 : i32
    %sign3A_396 = arith.cmpi sgt, %jit3A_386, %sign3A_395 : i32
    %sign3A_397 = arith.extui %sign3A_396 : i1 to i32
    %sign3A_398 = arith.constant 0 : i32
    %sign3A_399 = arith.cmpi slt, %jit3A_386, %sign3A_398 : i32
    %sign3A_400 = arith.extui %sign3A_399 : i1 to i32
    %sign3A_401 = arith.subi %sign3A_397, %sign3A_400 : i32
    %ne3A_402 = arith.cmpi ne, %sign3A_394, %sign3A_401 : i32
    %rem3A_403 = arith.remsi %get3A_382, %jit3A_386 : i32
    %ne3A_404 = arith.constant 0 : i32
    %ne3A_405 = arith.cmpi ne, %rem3A_403, %ne3A_404 : i32
    %and3A_406 = arith.andi %ne3A_402, %ne3A_405 : i1
    %sub3A_407 = arith.constant 1 : i32
    %sub3A_408 = arith.subi %div3A_387, %sub3A_407 : i32
    %select_n3A_409 = arith.select %and3A_406, %sub3A_408, %div3A_387 : i32
    %mul3A_410 = arith.constant 128 : i32
    %mul3A_411 = arith.muli %select_n3A_409, %mul3A_410 : i32
    %multiple_of3A_412 = tpu.assume_multiple %mul3A_411, 128 : i32
    %sub3A_413 = arith.subi %get3A_382, %multiple_of3A_412 : i32
    %get3A_414 = arith.index_cast %get3A_379 : i32 to index
    %get3A_415 = arith.constant 0 : index
    %get3A_416 = arith.index_cast %multiple_of3A_412 : i32 to index
    %get3A_417 = vector.load %arg1[%get3A_414, %get3A_415, %get3A_416] : memref<321x16x1152xf32, #tpu.memory_space<vmem>>, vector<1x16x512xf32>
    %get3A_418 = vector.shape_cast %get3A_417 : vector<1x16x512xf32> to vector<16x512xf32>
    %sub3A_419 = arith.constant 512 : i32
    %sub3A_420 = arith.subi %sub3A_419, %sub3A_413 : i32
    %roll3A_421 = tpu.dynamic_rotate %get3A_418 by %sub3A_420 dim 1 : vector<16x512xf32>, i32 -> vector<16x512xf32>
    %slice3A_422 = vector.extract_strided_slice %roll3A_421 {offsets = [0, 0], sizes = [16, 336], strides = [1, 1]} : vector<16x512xf32> to vector<16x336xf32>
    %add3A_423 = arith.addi %sub3A_413, %get3A_385 : i32
    %sub3A_424 = arith.constant 512 : i32
    %sub3A_425 = arith.subi %sub3A_424, %add3A_423 : i32
    %roll3A_426 = tpu.dynamic_rotate %get3A_418 by %sub3A_425 dim 1 : vector<16x512xf32>, i32 -> vector<16x512xf32>
    %slice3A_427 = vector.extract_strided_slice %roll3A_426 {offsets = [0, 0], sizes = [16, 336], strides = [1, 1]} : vector<16x512xf32> to vector<16x336xf32>
    %get3A_428 = arith.index_cast %arg0 : i32 to index
    %get3A_429 = arith.constant 5 : index
    %get3A_430 = memref.load %arg5[%get3A_428, %get3A_429] : memref<321x8xf32, #tpu.memory_space<smem>>
    %mul3A_431 = vector.broadcast %get3A_430 : f32 to vector<16x336xf32>
    %mul3A_432 = arith.mulf %slice3A_427, %mul3A_431 : vector<16x336xf32>
    %get3A_433 = arith.index_cast %arg0 : i32 to index
    %get3A_434 = arith.constant 5 : index
    %get3A_435 = memref.load %arg6[%get3A_433, %get3A_434] : memref<321x8xf32, #tpu.memory_space<smem>>
    %mul3A_436 = vector.broadcast %get3A_435 : f32 to vector<16x336xf32>
    %mul3A_437 = arith.mulf %slice3A_422, %mul3A_436 : vector<16x336xf32>
    %add3A_438 = arith.addf %mul3A_432, %mul3A_437 : vector<16x336xf32>
    %swap3A_439 = arith.constant 6 : index
    %swap3A_440 = arith.constant 0 : index
    %swap3A_441 = arith.constant 0 : index
    %swap3A_442 = arith.constant 0 : index
    %swap3A_443 = vector.load %arg11[%swap3A_439, %swap3A_440, %swap3A_441, %swap3A_442] : memref<9x1x16x336xf32, #tpu.memory_space<vmem>>, vector<1x1x16x336xf32>
    %swap3A_444 = vector.shape_cast %swap3A_443 : vector<1x1x16x336xf32> to vector<16x336xf32>
    %swap3A_445 = vector.shape_cast %add3A_438 : vector<16x336xf32> to vector<1x1x16x336xf32>
    tpu.vector_store %arg11[%swap3A_439, %swap3A_440, %swap3A_441, %swap3A_442], %swap3A_445 {strides = array<i32>} : memref<9x1x16x336xf32, #tpu.memory_space<vmem>>, vector<1x1x16x336xf32>,
    %slice3A_446 = vector.extract_strided_slice %div3A_19 {offsets = [0, 6], sizes = [1, 1], strides = [1, 1]} : vector<1x9xf32> to vector<1x1xf32>
    %mul3A_447 = vector.broadcast %slice3A_446 : vector<1x1xf32> to vector<16x336xf32>
    %mul3A_448 = arith.mulf %mul3A_447, %add3A_438 : vector<16x336xf32>
    %add3A_449 = arith.addf %add3A_376, %mul3A_448 : vector<16x336xf32>
    %get3A_450 = arith.index_cast %arg0 : i32 to index
    %get3A_451 = arith.constant 6 : index
    %get3A_452 = memref.load %arg2[%get3A_450, %get3A_451] : memref<321x8xi32, #tpu.memory_space<smem>>
    %get3A_453 = arith.index_cast %arg0 : i32 to index
    %get3A_454 = arith.constant 6 : index
    %get3A_455 = memref.load %arg3[%get3A_453, %get3A_454] : memref<321x8xi32, #tpu.memory_space<smem>>
    %get3A_456 = arith.index_cast %arg0 : i32 to index
    %get3A_457 = arith.constant 6 : index
    %get3A_458 = memref.load %arg4[%get3A_456, %get3A_457] : memref<321x8xi32, #tpu.memory_space<smem>>
    %jit3A_459 = arith.constant 128 : i32
    %div3A_460 = arith.divsi %get3A_455, %jit3A_459 : i32
    %sign3A_461 = arith.constant 0 : i32
    %sign3A_462 = arith.cmpi sgt, %get3A_455, %sign3A_461 : i32
    %sign3A_463 = arith.extui %sign3A_462 : i1 to i32
    %sign3A_464 = arith.constant 0 : i32
    %sign3A_465 = arith.cmpi slt, %get3A_455, %sign3A_464 : i32
    %sign3A_466 = arith.extui %sign3A_465 : i1 to i32
    %sign3A_467 = arith.subi %sign3A_463, %sign3A_466 : i32
    %sign3A_468 = arith.constant 0 : i32
    %sign3A_469 = arith.cmpi sgt, %jit3A_459, %sign3A_468 : i32
    %sign3A_470 = arith.extui %sign3A_469 : i1 to i32
    %sign3A_471 = arith.constant 0 : i32
    %sign3A_472 = arith.cmpi slt, %jit3A_459, %sign3A_471 : i32
    %sign3A_473 = arith.extui %sign3A_472 : i1 to i32
    %sign3A_474 = arith.subi %sign3A_470, %sign3A_473 : i32
    %ne3A_475 = arith.cmpi ne, %sign3A_467, %sign3A_474 : i32
    %rem3A_476 = arith.remsi %get3A_455, %jit3A_459 : i32
    %ne3A_477 = arith.constant 0 : i32
    %ne3A_478 = arith.cmpi ne, %rem3A_476, %ne3A_477 : i32
    %and3A_479 = arith.andi %ne3A_475, %ne3A_478 : i1
    %sub3A_480 = arith.constant 1 : i32
    %sub3A_481 = arith.subi %div3A_460, %sub3A_480 : i32
    %select_n3A_482 = arith.select %and3A_479, %sub3A_481, %div3A_460 : i32
    %mul3A_483 = arith.constant 128 : i32
    %mul3A_484 = arith.muli %select_n3A_482, %mul3A_483 : i32
    %multiple_of3A_485 = tpu.assume_multiple %mul3A_484, 128 : i32
    %sub3A_486 = arith.subi %get3A_455, %multiple_of3A_485 : i32
    %get3A_487 = arith.index_cast %get3A_452 : i32 to index
    %get3A_488 = arith.constant 0 : index
    %get3A_489 = arith.index_cast %multiple_of3A_485 : i32 to index
    %get3A_490 = vector.load %arg1[%get3A_487, %get3A_488, %get3A_489] : memref<321x16x1152xf32, #tpu.memory_space<vmem>>, vector<1x16x512xf32>
    %get3A_491 = vector.shape_cast %get3A_490 : vector<1x16x512xf32> to vector<16x512xf32>
    %sub3A_492 = arith.constant 512 : i32
    %sub3A_493 = arith.subi %sub3A_492, %sub3A_486 : i32
    %roll3A_494 = tpu.dynamic_rotate %get3A_491 by %sub3A_493 dim 1 : vector<16x512xf32>, i32 -> vector<16x512xf32>
    %slice3A_495 = vector.extract_strided_slice %roll3A_494 {offsets = [0, 0], sizes = [16, 336], strides = [1, 1]} : vector<16x512xf32> to vector<16x336xf32>
    %add3A_496 = arith.addi %sub3A_486, %get3A_458 : i32
    %sub3A_497 = arith.constant 512 : i32
    %sub3A_498 = arith.subi %sub3A_497, %add3A_496 : i32
    %roll3A_499 = tpu.dynamic_rotate %get3A_491 by %sub3A_498 dim 1 : vector<16x512xf32>, i32 -> vector<16x512xf32>
    %slice3A_500 = vector.extract_strided_slice %roll3A_499 {offsets = [0, 0], sizes = [16, 336], strides = [1, 1]} : vector<16x512xf32> to vector<16x336xf32>
    %get3A_501 = arith.index_cast %arg0 : i32 to index
    %get3A_502 = arith.constant 6 : index
    %get3A_503 = memref.load %arg5[%get3A_501, %get3A_502] : memref<321x8xf32, #tpu.memory_space<smem>>
    %mul3A_504 = vector.broadcast %get3A_503 : f32 to vector<16x336xf32>
    %mul3A_505 = arith.mulf %slice3A_500, %mul3A_504 : vector<16x336xf32>
    %get3A_506 = arith.index_cast %arg0 : i32 to index
    %get3A_507 = arith.constant 6 : index
    %get3A_508 = memref.load %arg6[%get3A_506, %get3A_507] : memref<321x8xf32, #tpu.memory_space<smem>>
    %mul3A_509 = vector.broadcast %get3A_508 : f32 to vector<16x336xf32>
    %mul3A_510 = arith.mulf %slice3A_495, %mul3A_509 : vector<16x336xf32>
    %add3A_511 = arith.addf %mul3A_505, %mul3A_510 : vector<16x336xf32>
    %swap3A_512 = arith.constant 7 : index
    %swap3A_513 = arith.constant 0 : index
    %swap3A_514 = arith.constant 0 : index
    %swap3A_515 = arith.constant 0 : index
    %swap3A_516 = vector.load %arg11[%swap3A_512, %swap3A_513, %swap3A_514, %swap3A_515] : memref<9x1x16x336xf32, #tpu.memory_space<vmem>>, vector<1x1x16x336xf32>
    %swap3A_517 = vector.shape_cast %swap3A_516 : vector<1x1x16x336xf32> to vector<16x336xf32>
    %swap3A_518 = vector.shape_cast %add3A_511 : vector<16x336xf32> to vector<1x1x16x336xf32>
    tpu.vector_store %arg11[%swap3A_512, %swap3A_513, %swap3A_514, %swap3A_515], %swap3A_518 {strides = array<i32>} : memref<9x1x16x336xf32, #tpu.memory_space<vmem>>, vector<1x1x16x336xf32>,
    %slice3A_519 = vector.extract_strided_slice %div3A_19 {offsets = [0, 7], sizes = [1, 1], strides = [1, 1]} : vector<1x9xf32> to vector<1x1xf32>
    %mul3A_520 = vector.broadcast %slice3A_519 : vector<1x1xf32> to vector<16x336xf32>
    %mul3A_521 = arith.mulf %mul3A_520, %add3A_511 : vector<16x336xf32>
    %add3A_522 = arith.addf %add3A_449, %mul3A_521 : vector<16x336xf32>
    %get3A_523 = arith.index_cast %arg0 : i32 to index
    %get3A_524 = arith.constant 7 : index
    %get3A_525 = memref.load %arg2[%get3A_523, %get3A_524] : memref<321x8xi32, #tpu.memory_space<smem>>
    %get3A_526 = arith.index_cast %arg0 : i32 to index
    %get3A_527 = arith.constant 7 : index
    %get3A_528 = memref.load %arg3[%get3A_526, %get3A_527] : memref<321x8xi32, #tpu.memory_space<smem>>
    %get3A_529 = arith.index_cast %arg0 : i32 to index
    %get3A_530 = arith.constant 7 : index
    %get3A_531 = memref.load %arg4[%get3A_529, %get3A_530] : memref<321x8xi32, #tpu.memory_space<smem>>
    %jit3A_532 = arith.constant 128 : i32
    %div3A_533 = arith.divsi %get3A_528, %jit3A_532 : i32
    %sign3A_534 = arith.constant 0 : i32
    %sign3A_535 = arith.cmpi sgt, %get3A_528, %sign3A_534 : i32
    %sign3A_536 = arith.extui %sign3A_535 : i1 to i32
    %sign3A_537 = arith.constant 0 : i32
    %sign3A_538 = arith.cmpi slt, %get3A_528, %sign3A_537 : i32
    %sign3A_539 = arith.extui %sign3A_538 : i1 to i32
    %sign3A_540 = arith.subi %sign3A_536, %sign3A_539 : i32
    %sign3A_541 = arith.constant 0 : i32
    %sign3A_542 = arith.cmpi sgt, %jit3A_532, %sign3A_541 : i32
    %sign3A_543 = arith.extui %sign3A_542 : i1 to i32
    %sign3A_544 = arith.constant 0 : i32
    %sign3A_545 = arith.cmpi slt, %jit3A_532, %sign3A_544 : i32
    %sign3A_546 = arith.extui %sign3A_545 : i1 to i32
    %sign3A_547 = arith.subi %sign3A_543, %sign3A_546 : i32
    %ne3A_548 = arith.cmpi ne, %sign3A_540, %sign3A_547 : i32
    %rem3A_549 = arith.remsi %get3A_528, %jit3A_532 : i32
    %ne3A_550 = arith.constant 0 : i32
    %ne3A_551 = arith.cmpi ne, %rem3A_549, %ne3A_550 : i32
    %and3A_552 = arith.andi %ne3A_548, %ne3A_551 : i1
    %sub3A_553 = arith.constant 1 : i32
    %sub3A_554 = arith.subi %div3A_533, %sub3A_553 : i32
    %select_n3A_555 = arith.select %and3A_552, %sub3A_554, %div3A_533 : i32
    %mul3A_556 = arith.constant 128 : i32
    %mul3A_557 = arith.muli %select_n3A_555, %mul3A_556 : i32
    %multiple_of3A_558 = tpu.assume_multiple %mul3A_557, 128 : i32
    %sub3A_559 = arith.subi %get3A_528, %multiple_of3A_558 : i32
    %get3A_560 = arith.index_cast %get3A_525 : i32 to index
    %get3A_561 = arith.constant 0 : index
    %get3A_562 = arith.index_cast %multiple_of3A_558 : i32 to index
    %get3A_563 = vector.load %arg1[%get3A_560, %get3A_561, %get3A_562] : memref<321x16x1152xf32, #tpu.memory_space<vmem>>, vector<1x16x512xf32>
    %get3A_564 = vector.shape_cast %get3A_563 : vector<1x16x512xf32> to vector<16x512xf32>
    %sub3A_565 = arith.constant 512 : i32
    %sub3A_566 = arith.subi %sub3A_565, %sub3A_559 : i32
    %roll3A_567 = tpu.dynamic_rotate %get3A_564 by %sub3A_566 dim 1 : vector<16x512xf32>, i32 -> vector<16x512xf32>
    %slice3A_568 = vector.extract_strided_slice %roll3A_567 {offsets = [0, 0], sizes = [16, 336], strides = [1, 1]} : vector<16x512xf32> to vector<16x336xf32>
    %add3A_569 = arith.addi %sub3A_559, %get3A_531 : i32
    %sub3A_570 = arith.constant 512 : i32
    %sub3A_571 = arith.subi %sub3A_570, %add3A_569 : i32
    %roll3A_572 = tpu.dynamic_rotate %get3A_564 by %sub3A_571 dim 1 : vector<16x512xf32>, i32 -> vector<16x512xf32>
    %slice3A_573 = vector.extract_strided_slice %roll3A_572 {offsets = [0, 0], sizes = [16, 336], strides = [1, 1]} : vector<16x512xf32> to vector<16x336xf32>
    %get3A_574 = arith.index_cast %arg0 : i32 to index
    %get3A_575 = arith.constant 7 : index
    %get3A_576 = memref.load %arg5[%get3A_574, %get3A_575] : memref<321x8xf32, #tpu.memory_space<smem>>
    %mul3A_577 = vector.broadcast %get3A_576 : f32 to vector<16x336xf32>
    %mul3A_578 = arith.mulf %slice3A_573, %mul3A_577 : vector<16x336xf32>
    %get3A_579 = arith.index_cast %arg0 : i32 to index
    %get3A_580 = arith.constant 7 : index
    %get3A_581 = memref.load %arg6[%get3A_579, %get3A_580] : memref<321x8xf32, #tpu.memory_space<smem>>
    %mul3A_582 = vector.broadcast %get3A_581 : f32 to vector<16x336xf32>
    %mul3A_583 = arith.mulf %slice3A_568, %mul3A_582 : vector<16x336xf32>
    %add3A_584 = arith.addf %mul3A_578, %mul3A_583 : vector<16x336xf32>
    %swap3A_585 = arith.constant 8 : index
    %swap3A_586 = arith.constant 0 : index
    %swap3A_587 = arith.constant 0 : index
    %swap3A_588 = arith.constant 0 : index
    %swap3A_589 = vector.load %arg11[%swap3A_585, %swap3A_586, %swap3A_587, %swap3A_588] : memref<9x1x16x336xf32, #tpu.memory_space<vmem>>, vector<1x1x16x336xf32>
    %swap3A_590 = vector.shape_cast %swap3A_589 : vector<1x1x16x336xf32> to vector<16x336xf32>
    %swap3A_591 = vector.shape_cast %add3A_584 : vector<16x336xf32> to vector<1x1x16x336xf32>
    tpu.vector_store %arg11[%swap3A_585, %swap3A_586, %swap3A_587, %swap3A_588], %swap3A_591 {strides = array<i32>} : memref<9x1x16x336xf32, #tpu.memory_space<vmem>>, vector<1x1x16x336xf32>,
    %slice3A_592 = vector.extract_strided_slice %div3A_19 {offsets = [0, 8], sizes = [1, 1], strides = [1, 1]} : vector<1x9xf32> to vector<1x1xf32>
    %mul3A_593 = vector.broadcast %slice3A_592 : vector<1x1xf32> to vector<16x336xf32>
    %mul3A_594 = arith.mulf %mul3A_593, %add3A_584 : vector<16x336xf32>
    %add3A_595 = arith.addf %add3A_522, %mul3A_594 : vector<16x336xf32>
    %get3A_596 = arith.constant 0 : index
    %get3A_597 = arith.constant 0 : index
    %get3A_598 = arith.constant 0 : index
    %get3A_599 = vector.load %arg8[%get3A_596, %get3A_597, %get3A_598] : memref<1x16x1xf32, #tpu.memory_space<vmem>>, vector<1x16x1xf32>
    %get3A_600 = vector.shape_cast %get3A_599 : vector<1x16x1xf32> to vector<16x1xf32>
    %get3A_601 = arith.constant 0 : index
    %get3A_602 = arith.constant 0 : index
    %get3A_603 = arith.constant 0 : index
    %get3A_604 = vector.load %arg9[%get3A_601, %get3A_602, %get3A_603] : memref<1x16x1xf32, #tpu.memory_space<vmem>>, vector<1x16x1xf32>
    %get3A_605 = vector.shape_cast %get3A_604 : vector<1x16x1xf32> to vector<16x1xf32>
    %mul3A_606 = vector.broadcast %get3A_605 : vector<16x1xf32> to vector<16x336xf32>
    %mul3A_607 = arith.mulf %add3A_595, %mul3A_606 : vector<16x336xf32>
    %add3A_608 = vector.broadcast %get3A_600 : vector<16x1xf32> to vector<16x336xf32>
    %add3A_609 = arith.addf %mul3A_607, %add3A_608 : vector<16x336xf32>
    %swap3A_610 = arith.constant 0 : index
    %swap3A_611 = arith.constant 0 : index
    %swap3A_612 = arith.constant 0 : index
    %swap3A_613 = vector.load %arg10[%swap3A_610, %swap3A_611, %swap3A_612] : memref<1x16x336xf32, #tpu.memory_space<vmem>>, vector<1x16x336xf32>
    %swap3A_614 = vector.shape_cast %swap3A_613 : vector<1x16x336xf32> to vector<16x336xf32>
    %swap3A_615 = vector.shape_cast %add3A_609 : vector<16x336xf32> to vector<1x16x336xf32>
    tpu.vector_store %arg10[%swap3A_610, %swap3A_611, %swap3A_612], %swap3A_615 {strides = array<i32>} : memref<1x16x336xf32, #tpu.memory_space<vmem>>, vector<1x16x336xf32>,
    return
  }
  func.func @transform_0(%arg0: i32) -> (i32, i32, i32) {
    %c0_i32 = arith.constant 0 : i32
    %c0_i32_0 = arith.constant 0 : i32
    %c0_i32_1 = arith.constant 0 : i32
    %c0_i32_2 = arith.constant 0 : i32
    return %c0_i32, %c0_i32_0, %c0_i32_1 : i32, i32, i32
  }
  func.func @transform_1(%arg0: i32) -> (i32, i32) {
    %c0_i32 = arith.constant 0 : i32
    %c0_i32_0 = arith.constant 0 : i32
    %c0_i32_1 = arith.constant 0 : i32
    return %c0_i32, %c0_i32_0 : i32, i32
  }
  func.func @transform_2(%arg0: i32) -> (i32, i32) {
    %c0_i32 = arith.constant 0 : i32
    %c0_i32_0 = arith.constant 0 : i32
    %c0_i32_1 = arith.constant 0 : i32
    return %c0_i32, %c0_i32_0 : i32, i32
  }
  func.func @transform_3(%arg0: i32) -> (i32, i32) {
    %c0_i32 = arith.constant 0 : i32
    %c0_i32_0 = arith.constant 0 : i32
    %c0_i32_1 = arith.constant 0 : i32
    return %c0_i32, %c0_i32_0 : i32, i32
  }
  func.func @transform_4(%arg0: i32) -> (i32, i32) {
    %c0_i32 = arith.constant 0 : i32
    %c0_i32_0 = arith.constant 0 : i32
    %c0_i32_1 = arith.constant 0 : i32
    return %c0_i32, %c0_i32_0 : i32, i32
  }
  func.func @transform_5(%arg0: i32) -> (i32, i32) {
    %c0_i32 = arith.constant 0 : i32
    %c0_i32_0 = arith.constant 0 : i32
    %c0_i32_1 = arith.constant 0 : i32
    return %c0_i32, %c0_i32_0 : i32, i32
  }
  func.func @transform_6(%arg0: i32) -> (i32, i32, i32) {
    %c0_i32 = arith.constant 0 : i32
    %c0_i32_0 = arith.constant 0 : i32
    %c0_i32_1 = arith.constant 0 : i32
    return %arg0, %c0_i32, %c0_i32_0 : i32, i32, i32
  }
  func.func @transform_7(%arg0: i32) -> (i32, i32, i32) {
    %c0_i32 = arith.constant 0 : i32
    %c0_i32_0 = arith.constant 0 : i32
    %c0_i32_1 = arith.constant 0 : i32
    return %arg0, %c0_i32, %c0_i32_0 : i32, i32, i32
  }
  func.func @transform_8(%arg0: i32) -> (i32, i32, i32) {
    %c0_i32 = arith.constant 0 : i32
    %c0_i32_0 = arith.constant 0 : i32
    %c0_i32_1 = arith.constant 0 : i32
    return %arg0, %c0_i32, %c0_i32_0 : i32, i32, i32
  }
  func.func @transform_9(%arg0: i32) -> (i32, i32, i32) {
    %c0_i32 = arith.constant 0 : i32
    %c0_i32_0 = arith.constant 0 : i32
    %c0_i32_1 = arith.constant 0 : i32
    return %arg0, %c0_i32, %c0_i32_0 : i32, i32, i32
  }
  func.func @transform_10(%arg0: i32) -> (i32, i32, i32, i32) {
    %c0_i32 = arith.constant 0 : i32
    %c0_i32_0 = arith.constant 0 : i32
    %c0_i32_1 = arith.constant 0 : i32
    %c0_i32_2 = arith.constant 0 : i32
    return %c0_i32, %arg0, %c0_i32_0, %c0_i32_1 : i32, i32, i32, i32
  }
}

</mosaic_0001>

<sc_bundles>
// kernel: sparse-core-data-format-call.cloned.1.call-start
scs
called_computation_lowered:
.L_overlay_start_0:
0x0: {  	s2 =	sld [smem:$0x3FD9]  }
0x1: {  	s3 =	sld [smem:$0x3FFE];
	_ =	sdelay $0x1  }
0x2: {  	s1 =	srdreg.scid  }
0x3: {  	s0 =	sand.u32 $0x1, s1  }
0x4: {  	s15 =	sshll.u32 s0, $0xA;
	s2 =	sadd.s32 s3, s2  }
0x5: {  	s2 =	sadd.s32 s2, s15  }
0x6: {  	[smem:$0x3FC3] =	sst s2  }
0x7: {  	_ = 	snop  }
0x8: {  	s2 =	sld [smem:$0x3FD0];
	_ =	sdelay $0x2  }
0x9: {  	s16 =	simm.s32 $0xA;
	s4 =	simm.s32 $0x10  }
0xa: {  	[smem:s4], [sflag:s16] =	dma.local [hbm:s2], $0x1  }
0xb: {  	_ =	swait.eq [sflag:s16], $0x1  }
0xc: {  	[sflag:s16] =	ssyncset.done $0x0  }
0xd: {  	[sflag:s16] =	ssyncadd.s32 $0xFFFFFFFF  }
0xe: {  	s17 =	sld [smem:$0x11];
	(tm) =	ssettm $0x1  }
0xf: {  	s18 =	sld [smem:$0x3FFB];
	_ =	sdelay $0x3  }
0x10: {  	_ =	strace s18  }
0x11: {  	s3 =	sld [smem:$0x3FFC];
	_ =	sdelay $0x3  }
0x12: {  	_ =	strace s3  }
0x13: {  	s3 =	sld [smem:$0x3FFD];
	_ =	sdelay $0x3  }
0x14: {  	_ =	strace s3  }
0x15: {  	_ =	strace $0x8FFFFFFF  }
0x16: {  	s19 =	sld [smem:$0x3FDB];
	_ =	sdelay $0x1  }
0x17: {  	s20 =	simm.s32 $_scs_section_size  }
0x18: {  	s5 =	simm.s32 $_size__tile_overlayer_lowered;
	s6 =	simm.s32 $_tile_overlayer_lowered  }
0x19: {  	s23 =	simm.s32 $0x1BFF;
	s22 =	sshll.u32 s6, $0x1;
	s3 =	sadd.s32 s20, s19  }
0x1a: {  	s7 =	simm.s32 $0x0;
	s21 =	sshll.u32 s5, $0x1;
	s5 =	sadd.s32 s22, s3  }
0x1b: {  	[timem:s7], [sflag:s23] =	dma.local [hbm:s5], s21  }
0x1c: {  	_ =	swait.ge [sflag:s23], s21  }
0x1d: {  	s4 =	ssub.s32 $0x0, s21;
	[sflag:s23] =	ssyncset.done $0x0  }
0x1e: {  	[sflag:s23] =	ssyncadd.s32 s4;
	_ =	sdelay $0x1  }
0x1f: {  	s24 =	simm.s32 $0x1B8B  }
0x20: {  	_ =	swait.ge [sflag:s24], $0x1  }
0x21: {  	[sflag:s24] =	ssyncset.done $0x0  }
0x22: {  	s26 =	simm.s32 $0x1B8E;
	s25 =	sld [smem:$0x3FFE];
	[sflag:s24] =	ssyncadd.s32 $0xFFFFFFFF  }
0x23: {  	s27 =	simm.s32 $execute0_lowered;
	[smem:$0x3FD2] =	sst s26  }
0x24: {  	s5 =	sshll.u32 s27, $0x1;
	_ =	strace $0x80000046;
	[dreg:$0x1] =	wrdreg $0xFFFFFFFF  }
0x25: {  	s28 =	simm.s32 $_size_execute0_lowered;
	s3 =	sadd.s32 s3, s5;
	[dreg:$0x0] =	wrdreg $0x0  }
0x26: {  	s5 =	sshll.u32 s28, $0x1;
	[dreg:$0x2] =	wrdreg s3  }
0x27: {  	[dreg:$0x3] =	wrdreg s5  }
0x28: {  	[dreg:$0x4] =	wrdreg $0xC0  }
0x29: {  	_ =	task [dreg:s7], $0x5FFFF  }
0x2a: {  	[dreg:$0x1] =	wrdreg $0xFFFFFFFF  }
0x2b: {  	[dreg:$0x0] =	wrdreg $0x60  }
0x2c: {  	[dreg:$0x2] =	wrdreg s25  }
0x2d: {  	[dreg:$0x3] =	wrdreg s17  }
0x2e: {  	[dreg:$0x4] =	wrdreg $0x9  }
0x2f: {  	_ =	task.clear_ibuf [dreg:s7], $0x5FFFF;
	_ =	strace $0x90000046  }
0x30: {  	s29 =	simm.s32 $0x9;
	_ =	strace $0x80000048  }
0x31: {  	_ =	swait.ge [sflag:s29], $0x1  }
0x32: {  	[sflag:s29] =	ssyncadd.s32 $0xFFFFFFFF  }
0x33: {  	_ =	strace $0x90000048  }
0x34: {  	_ =	sfence  }
0x35: {  	s30 =	sld [smem:$0x0];
	_ =	sdelay $0x2  }
0x36: {  	s31 =	sshll.u32 s1, $0xD;
	s1 =	sshrl.u32 s1, $0x2  }
0x37: {  	s3 =	sand.u32 $0x4000, s31;
	s1 =	sadd.s32 s1, s30  }
0x38: {  	s0 =	sor.u32 s3, s0;
	s1 =	sshll.u32 s1, $0x11  }
0x39: {  	s0 =	sor.u32 s1, s0  }
0x3a: {  	s0 =	sadd.s32 $0x8F2B, s0  }
0x3b: {  	[sflag:s0] =	ssyncadd.remote.s32 $0x1  }
0x3c: {  	_ =	sfence.sel $0xFFFF  }
0x3d: {  	[dreg:$0x0] =	wrdreg $0xFFFFFFFF;
	(pc) =	sbr.abs _section_cstart, $3  }
0x3e: {  	[dreg:$0x1] =	wrdreg $0xFFFFFFFF  }
0x3f: {  	_ =	task.clear_ibuf [dreg:s7], $0x2FFFF;
	_ =	strace $0x9FFFFFFF  }
0x40: {  	(tm) =	ssettm $0x7FFFFFFF  }
0x41: {  	_ =	shalt  }
tec
execute0_lowered:
.L_overlay_start_1:
0x0: {  	(tag) =	ssettag $0x1  }
0x1: {  	s2 =	stileid.u32  }
0x2: {  	s0 =	srdreg.scid;
	s1 =	sshll.u32 s2, $0x1  }
0x3: {  	s3 =	sshll.u32 s2, $0x4;
	s0 =	sshll.u32 s0, $0x8;
	s1 =	sand.u32 $0x8, s1  }
0x4: {  	s0 =	sor.u32 s3, s0;
	s4 =	sshrl.u32 s1, $0x3  }
0x5: {  	s2 =	sand.u32 $0x180, s0;
	s25 =	smul.u32 $0xC00, s4  }
0x6: {  	s26 =	sshll.u32 s2, $0x3  }
0x7: {  	s0 =	sadd.s32 s25, s26  }
0x8: {  	s4 =	smul.u32 $0xAAB, s0;
	_ =	sdelay $0x1  }
0x9: {  	s6 =	rddreg [dreg:$0x0];
	_ =	strace $0x80000047;
	s4 =	sshrl.u32 s4, $0x14  }
0xa: {  	s27 =	simm.s32 $0x1;
	s28 =	simm.s32 $0x2;
	s5 =	smul.u32 $0x180, s4  }
0xb: {  	s19 =	simm.s32 $0x0;
	s21 =	simm.s32 $0x0;
	s20 =	simm.s32 $0x0  }
0xc: {  	s13 =	simm.s32 $0x0;
	s22 =	simm.s32 $0x0;
	s0 =	ssub.s32 s0, s5  }
0xd: {  	s14 =	simm.s32 $0x0;
	s15 =	simm.s32 $0x0;
	s0 =	sand.u32 $0xFF80, s0  }
0xe: {  	s17 =	simm.s32 $0x0;
	s18 =	simm.s32 $0x0;
	s0 =	sshrl.u32 s0, $0x3  }
0xf: {  	s7 =	ssub.s32 $0x10, s1;
	s0 =	sadd.s32 s0, s6;
	s6 =	sand.u32 $0x30, s3  }
0x10: {  	[sflag:s27] =	ssyncpa.u1 $0x0;
	s8 =	sshrl.u32 s7, $0x4;
	s29 =	ssub.s32 $0x140, s6  }
0x11: {  	s7 =	sshrl.u32 s7, $0x3;
	s9 =	ssub.s32 $0x150, s2;
	s3 =	sshrl.u32 s29, $0x6  }
0x12: {  	s7 =	sand.u32 $0x1, s7;
	s4 =	sand.u32 $0xF, s4;
	s3 =	smul.u32 $0x9, s3  }
0x13: {  	p0 =	sgt.s32 s9, $0x0;
	s7 =	sadd.s32 s8, s7;
	s4 =	smul.u32 $0x30, s4  }
.Ltmp0:
0x14: {  	s9 =	simm.s32 @!p0 $0x0;
	s3 =	sadd.s32 $0x9, s3;
	(pc) =	sbr.rel .LBB1_1-.Ltmp0, $4  }
0x15: {  	[sflag:s28] =	ssyncpa.u1 $0x0;
	s30 =	sand.u32 $0x1D0, s9;
	s7 =	smul.u32 s7, s3  }
0x16: {  	s31 =	smax.u32 s2, $0x100;
	p0 =	seq.s32 s30, $0x0;
	s0 =	sadd.s32 s4, s0  }
0x17: {  	s16 =	smov.u32 s6;
	s3 =	sshll.u32 s31, $0x3;
	s7 =	simm.s32 @p0 $0x0  }
0x18: {  	s9 =	sadd.s32 $0x1E00, s0;
	s8 =	sxor.u32 $0xC00, s3;
	s10 =	sadd.s32 $0x1, s7  }
.LBB1_12:
0x19: {  	s0 =	sshrl.u32 s22, $0x3  }
0x1a: {  	s0 =	smul.u32 $0xC00, s0  }
0x1b: {  	s3 =	sshll.u32 s13, $0x3  }
0x1c: {  	s0 =	sadd.s32 s3, s0  }
0x1d: {  	s3 =	smulhi.u32 $0xAAAAAAAB, s0;
	_ =	sdelay $0x1  }
0x1e: {  	s5 =	smul.u32 $0x300, s15;
	s3 =	sshrl.u32 s3, $0x8  }
0x1f: {  	s4 =	smul.u32 $0x180, s3  }
0x20: {  	s11 =	smul.u32 $0x1B00, s14;
	s28 =	rddreg [dreg:$0x1]  }
0x21: {  	s3 =	sand.u32 $0xF, s3;
	s0 =	ssub.s32 s0, s4;
	s4 =	sadd.s32 s28, s5  }
0x22: {  	s3 =	smul.u32 $0x30, s3;
	s0 =	sshrl.u32 s0, $0x3;
	s4 =	sadd.s32 s11, s4  }
0x23: {  	s29 =	sor.u32 $0x8000, s24;
	s0 =	sadd.s32 s0, s4  }
0x24: {  	s30 =	simm.s32 $0x400;
	s31 =	simm.s32 $0xD800;
	s0 =	sadd.s32 s3, s0  }
0x25: {  	[hbm4b:s0+s30] =	stream.strided.scatter [tilespmem:s29], [sflag:$0x2], s23, s31, s30, $0x38;
	[tilespmem:$0x10000] =	vst v63  }
.LBB1_13:
0x26: {  	p0 =	slt.u32 s18, $0x2  }
0x27: {  	s0 =	smov.u32 s21;
	p1 =	sgt.s32 @!p0 s21, $0x131  }
0x28: {  	s3 =	sshra.s32 @!p0 s21, $0x1F;
	s4 =	sshra.s32 @!p0 s20, $0x1F;
	p1 =	por !p1, p0  }
0x29: {  	s3 =	sand.u32 @!p0 s3, s21;
	s0 =	simm.s32 @p1 $0x131;
	p1 =	sgt.s32 @!p0 s20, $0x8  }
0x2a: {  	s0 =	ssub.s32 @!p0 s0, s3;
	p1 =	por !p1, p0;
	s3 =	smov.u32 s20  }
0x2b: {  	p2 =	sgt.s32 @!p0 s19, $0x17F;
	s4 =	sand.u32 @!p0 s4, s20;
	s3 =	simm.s32 @p1 $0x8  }
0x2c: {  	p2 =	por !p2, p0;
	p1 =	sgt.s32 @!p0 s19, $0x100;
	s3 =	ssub.s32 @!p0 s3, s4  }
0x2d: {  	p1 =	por !p1, p0;
	s4 =	sadd.s32 @!p0 $0xFFFFFECF, s0;
	s3 =	sadd.s32 @!p0 $0xFFFFFFF8, s3  }
0x2e: {  	s19 =	simm.s32 @p1 $0x100;
	p1 =	sgt.s32 @!p0 s3, $0x0;
	s3 =	sshll.u32 @!p0 s3, $0x3  }
0x2f: {  	s5 =	ssub.s32 @!p0 $0x180, s19;
	s3 =	ssub.s32 @!p0 $0x8, s3;
	p1 =	por !p1, p0  }
0x30: {  	p3 =	sgt.s32 @!p0 s4, $0xF;
	s5 =	simm.s32 @!p2 $0x0;
	s3 =	simm.s32 @!p1 $0x0  }
0x31: {  	s0 =	ssub.s32 @!p0 $0x141, s0;
	p1 =	por !p3, p0;
	s3 =	smul.u32 @!p0 s5, s3  }
0x32: {  	s0 =	simm.s32 @!p1 $0x0  }
0x33: {  	s0 =	smul.u32 @!p0 s0, s3;
	s3 =	sadd.s32 $0x40, s16  }
0x34: {  	s4 =	simm.s32 $0x1;
	p1 =	sgt.s32 s3, $0x140  }
0x35: {  	s5 =	simm.s32 @!p0 $0x2;
	s0 =	sand.u32 @!p0 $0x3FFFFFF8, s0;
	s4 =	simm.s32 @!p1 $0x0  }
0x36: {  	s11 =	ssub.s32 @!p0 $0x0, s0;
	_ =	swait.ge @!p0 [sflag:s5], s0;
	s0 =	sadd.s32 s4, s17  }
0x37: {  	s3 =	smov.u32 @p1 s6;
	p1 =	sgt.s32 s0, $0x8  }
0x38: {  	s0 =	simm.s32 @p1 $0x0;
	p1 =	sne.s32 s18, s10  }
.Ltmp1:
0x39: {  	s31 =	sadd.s32 $0x1, s18;
	(pc) =	sbr.rel @!p1 .LBB1_14-.Ltmp1, $4  }
0x3a: {  	s22 =	smov.u32 s1;
	s21 =	smov.u32 s14;
	s14 =	smov.u32 s16  }
0x3b: {  	s20 =	smov.u32 s15;
	s15 =	smov.u32 s17;
	s19 =	smov.u32 s13  }
0x3c: {  	s13 =	smov.u32 s2;
	s16 =	smov.u32 s3;
	[sflag:s5] =	ssyncset.done @!p0 $0x0  }
0x3d: {  	[sflag:s5] =	ssyncadd.s32 @!p0 s11;
	s18 =	smov.u32 s31;
	s17 =	smov.u32 s0  }
.LBB1_1:
0x3e: {  	p0 =	sge.u32 s18, s7  }
0x3f: {  	s0 =	smov.u32 s17;
	p1 =	sgt.s32 @!p0 s17, $0x8  }
0x40: {  	s3 =	sshra.s32 @!p0 s17, $0x1F;
	s4 =	sshra.s32 @!p0 s16, $0x1F;
	p1 =	por !p1, p0  }
0x41: {  	s3 =	sand.u32 @!p0 s3, s17;
	s0 =	simm.s32 @p1 $0x8;
	p1 =	sgt.s32 @!p0 s16, $0x131  }
0x42: {  	s0 =	ssub.s32 @!p0 s0, s3;
	p1 =	por !p1, p0;
	s3 =	smov.u32 s16  }
0x43: {  	s4 =	sand.u32 @!p0 s4, s16;
	s11 =	sadd.s32 @!p0 $0xFFFFFFF8, s0;
	s3 =	simm.s32 @p1 $0x131  }
0x44: {  	p1 =	sgt.s32 @!p0 s11, $0x0;
	s3 =	ssub.s32 @!p0 s3, s4  }
0x45: {  	s0 =	ssub.s32 @!p0 $0x9, s0;
	p1 =	por !p1, p0;
	s4 =	sadd.s32 @!p0 $0xFFFFFECF, s3  }
0x46: {  	s0 =	simm.s32 @!p1 $0x0;
	p1 =	sgt.s32 @!p0 s4, $0xF;
	s4 =	smul.u32 @!p0 $0x3C300, s17  }
0x47: {  	s3 =	ssub.s32 @!p0 $0x141, s3;
	p1 =	por !p1, p0;
	s0 =	smul.u32 @!p0 s0, s8  }
0x48: {  	s31 =	sadd.s32 $0xFFFFFFFF, s18;
	s11 =	smul.u32 @!p0 $0x300, s16;
	s3 =	simm.s32 @!p1 $0x0  }
0x49: {  	s4 =	sadd.s32 @!p0 s4, s9;
	s0 =	smul.u32 @!p0 s3, s0;
	s3 =	sxor.u32 @!p0 $0xFFFFFFFF, s18  }
0x4a: {  	s12 =	simm.s32 @!p0 $0x1800;
	s4 =	sadd.s32 @!p0 s11, s4;
	s3 =	sshll.u32 @!p0 s3, $0xE  }
0x4b: {  	s11 =	simm.s32 @!p0 $0x400;
	s3 =	sand.u32 @!p0 $0x4000, s3;
	s0 =	sand.u32 @!p0 $0x3FFFFC00, s0  }
0x4c: {  	[tilespmem:s3], [sflag:$0x1] =	stream.strided.gather @!p0 [hbm4b:s4+s11], s0, s12, s11, $0x38;
	[tilespmem:$0x10000] =	vst v63  }
0x4d: {  	p0 =	sge.u32 s31, s7  }
.Ltmp2:
0x4e: {  	_ = 	snop;
	(pc) =	sbr.rel @p0 .LBB1_13-.Ltmp2, $1  }
0x4f: {  	_ =	sdelay $0x3  }
0x50: {  	p0 =	sgt.s32 s15, $0x8;
	s0 =	smov.u32 s15;
	s3 =	sshra.s32 s15, $0x1F  }
0x51: {  	s0 =	simm.s32 @!p0 $0x8;
	s3 =	sand.u32 s3, s15  }
0x52: {  	s4 =	sshra.s32 s14, $0x1F;
	p0 =	sgt.s32 s14, $0x131;
	s0 =	ssub.s32 s0, s3  }
0x53: {  	s4 =	sand.u32 s4, s14;
	s3 =	smov.u32 s14;
	s0 =	sadd.s32 $0xFFFFFFF8, s0  }
0x54: {  	s3 =	simm.s32 @!p0 $0x131;
	p0 =	sgt.s32 s13, $0x100;
	p1 =	sgt.s32 s0, $0x0  }
0x55: {  	s3 =	ssub.s32 s3, s4;
	s4 =	smov.u32 s13;
	s0 =	sshll.u32 s0, $0x3  }
0x56: {  	s11 =	sadd.s32 $0xFFFFFECF, s3;
	s4 =	simm.s32 @!p0 $0x100;
	s0 =	ssub.s32 $0x8, s0  }
0x57: {  	s3 =	ssub.s32 $0x141, s3;
	s4 =	ssub.s32 $0x180, s4;
	s0 =	simm.s32 @p1 $0x0  }
0x58: {  	p0 =	sgt.s32 s11, $0xF;
	s0 =	smul.u32 s4, s0;
	s4 =	sadd.s32 $0x1, s15  }
0x59: {  	s11 =	sadd.s32 $0x10, s14;
	s3 =	simm.s32 @p0 $0x0;
	p0 =	slt.s32 s4, $0x9  }
0x5a: {  	s4 =	simm.s32 @!p0 $0x9;
	p0 =	slt.s32 s11, $0x141  }
0x5b: {  	s25 =	ssub.s32 s4, s15;
	s11 =	simm.s32 @!p0 $0x141  }
0x5c: {  	s26 =	ssub.s32 s11, s14;
	p0 =	slt.s32 s25, $0x1  }
0x5d: {  	p1 =	slt.s32 @!p0 s26, $0x1  }
0x5e: {  	s0 =	smul.u32 s3, s0;
	p1 =	por p0, p1  }
.Ltmp3:
0x5f: {  	_ = 	snop;
	(pc) =	sbr.rel @p1 .LBB1_12-.Ltmp3, $4  }
0x60: {  	s30 =	simm.s32 $0x1;
	s23 =	sand.u32 $0x3FFFFC00, s0  }
0x61: {  	_ =	swait.ge [sflag:s30], s23  }
0x62: {  	s31 =	sshll.u32 s18, $0xE;
	s0 =	ssub.s32 $0x0, s23;
	[sflag:s30] =	ssyncset.done $0x0  }
0x63: {  	s24 =	sand.u32 $0x4000, s31;
	[sflag:s30] =	ssyncadd.s32 s0  }
0x64: {  	p1 =	slt.s32 s13, $0xD0;
	s0 =	smov.u32 s13  }
.Ltmp4:
0x65: {  	s0 =	simm.s32 @!p1 $0xD0;
	(pc) =	sbr.rel .LBB1_4-.Ltmp4, $4  }
0x66: {  	s0 =	ssub.s32 s0, s13  }
0x67: {  	s27 =	sadd.s32 $0x80, s0  }
0x68: {  	s29 =	sor.u32 @!p0 $0x8000, s24;
	s12 =	sand.u32 @!p0 $0xFFFFFF00, s27  }
0x69: {  	s30 =	simm.s32 $0x0;
	p0 =	slt.s32 s0, $0x80;
	p1 =	seq.s32 s12, s27  }
.LBB1_11:
0x6a: {  	s30 =	sadd.s32 $0x1, s30  }
0x6b: {  	p2 =	sne.s32 s30, s25  }
.Ltmp5:
0x6c: {  	_ = 	snop;
	(pc) =	sbr.rel @!p2 .LBB1_12-.Ltmp5, $1  }
0x6d: {  	_ =	sdelay $0x3  }
.LBB1_4:
.Ltmp6:
0x6e: {  	(pc) =	sbr.rel .LBB1_5-.Ltmp6, $4  }
0x6f: {  	_ = 	snop  }
0x70: {  	s0 =	sshll.u32 s30, $0x10  }
0x71: {  	s0 =	sshra.s32 s0, $0x2  }
0x72: {  	s3 =	simm.s32 $0x0;
	s31 =	sadd.s32 s0, s24  }
.LBB1_10:
0x73: {  	s3 =	sadd.s32 $0x1, s3  }
0x74: {  	p2 =	sne.s32 s3, s26  }
.Ltmp7:
0x75: {  	_ = 	snop;
	(pc) =	sbr.rel @!p2 .LBB1_11-.Ltmp7, $1  }
0x76: {  	_ =	sdelay $0x3  }
.LBB1_5:
.Ltmp8:
0x77: {  	s0 =	sadd.s32 s30, s3;
	(pc) =	sbr.rel .LBB1_6-.Ltmp8, $4  }
0x78: {  	s4 =	sshll.u32 s3, $0xC;
	s0 =	sshll.u32 s0, $0xC  }
0x79: {  	s4 =	sshra.s32 s4, $0x2;
	s11 =	sshra.s32 s0, $0x2  }
0x7a: {  	s0 =	sadd.s32 s4, s31;
	s4 =	sadd.s32 s11, s29  }
0x7b: {  	s11 =	simm.s32 $0x0;
	v0 =	vmov s0;
	v1 =	vmov s4  }
.LBB1_9:
0x7c: {  	s11 =	sadd.s32 $0x1, s11  }
0x7d: {  	p2 =	sne.s32 s11, $0x8  }
.Ltmp9:
0x7e: {  	_ = 	snop;
	(pc) =	sbr.rel @!p2 .LBB1_10-.Ltmp9, $1  }
0x7f: {  	_ =	sdelay $0x3  }
.LBB1_6:
0x80: {  	_ =	sdelay $0x2  }
0x81: {  	s28 =	sshll.u32 @!p0 s11, $0x7  }
0x82: {  	v2 =	vld.idx.msk @!p0 [tilespmem:v0+s28+$0x0 ss:$0x1], $0xffff  }
0x83: {  	v3 =	vld.idx.msk @!p0 [tilespmem:v0+s28+$0x10 ss:$0x1], $0xffff  }
0x84: {  	v4 =	vld.idx.msk @!p0 [tilespmem:v0+s28+$0x20 ss:$0x1], $0xffff  }
0x85: {  	v5 =	vld.idx.msk @!p0 [tilespmem:v0+s28+$0x30 ss:$0x1], $0xffff  }
0x86: {  	v6 =	vld.idx.msk @!p0 [tilespmem:v0+s28+$0x40 ss:$0x1], $0xffff  }
0x87: {  	v7 =	vld.idx.msk @!p0 [tilespmem:v0+s28+$0x50 ss:$0x1], $0xffff;
	[tilespmem:v1+s28+$0x0 ss:$0x1] =	vst.idx.msk @!p0 $0xffff, v2  }
0x88: {  	v2 =	vld.idx.msk @!p0 [tilespmem:v0+s28+$0x60 ss:$0x1], $0xffff;
	[tilespmem:v1+s28+$0x10 ss:$0x1] =	vst.idx.msk @!p0 $0xffff, v3  }
0x89: {  	v3 =	vld.idx.msk @!p0 [tilespmem:v0+s28+$0x70 ss:$0x1], $0xffff;
	[tilespmem:v1+s28+$0x20 ss:$0x1] =	vst.idx.msk @!p0 $0xffff, v4  }
.Ltmp10:
0x8a: {  	[tilespmem:v1+s28+$0x30 ss:$0x1] =	vst.idx.msk @!p0 $0xffff, v5;
	(pc) =	sbr.rel @p1 .LBB1_9-.Ltmp10, $4  }
0x8b: {  	[tilespmem:v1+s28+$0x40 ss:$0x1] =	vst.idx.msk @!p0 $0xffff, v6  }
0x8c: {  	[tilespmem:v1+s28+$0x50 ss:$0x1] =	vst.idx.msk @!p0 $0xffff, v7  }
0x8d: {  	[tilespmem:v1+s28+$0x60 ss:$0x1] =	vst.idx.msk @!p0 $0xffff, v2  }
0x8e: {  	[tilespmem:v1+s28+$0x70 ss:$0x1] =	vst.idx.msk @!p0 $0xffff, v3  }
0x8f: {  	s28 =	sshll.u32 s11, $0x7  }
0x90: {  	s5 =	sadd.s32 s28, s0  }
0x91: {  	v2 =	vmov s5;
	_ =	sdelay $0x1  }
0x92: {  	s28 =	sadd.s32 s28, s4  }
0x93: {  	v3 =	vmov s28;
	s28 =	smov.u32 s12  }
.LBB1_8:
0x94: {  	s5 =	sand.u32 $0x70, s28;
	s28 =	sadd.s32 $0x10, s28  }
0x95: {  	v4 =	vld.idx.msk [tilespmem:v2+s5+$0x0 ss:$0x1], $0xffff;
	p2 =	slt.s32 s28, s27  }
.Ltmp11:
0x96: {  	_ = 	snop;
	(pc) =	sbr.rel @p2 .LBB1_8-.Ltmp11, $2  }
0x97: {  	_ =	sdelay $0x2  }
0x98: {  	[tilespmem:v3+s5+$0x0 ss:$0x1] =	vst.idx.msk $0xffff, v4  }
.Ltmp12:
0x99: {  	_ = 	snop;
	(pc) =	sbr.rel .LBB1_9-.Ltmp12, $1  }
0x9a: {  	_ =	sdelay $0x3  }
.LBB1_14:
0x9b: {  	_ =	sfence.sel $0x180000  }
0x9c: {  	s0 =	simm.s32 $0x1;
	[bflag:$0x0] =	sbarrier.arrive $0xFFFF  }
0x9d: {  	s30 =	simm.s32 $0x2;
	[sflag:s0] =	ssyncpa.u1 $0x1  }
0x9e: {  	[sflag:s30] =	ssyncpa.u1 $0x1  }
0x9f: {  	_ =	strace $0x90000047  }
0xa0: {  	s31 =	stileid.u32;
	[bflag:$0x2] =	sbarrier.arrive $0xFFFF  }
0xa1: {  	p0 =	sne.s32 s31, $0x0;
	s0 =	rddreg [dreg:$0x2]  }
0xa2: {  	s0 =	sadd.s32 @!p0 $0x100000, s0  }
0xa3: {  	[sflag:s0] =	ssyncadd.tile.s32 @!p0 $0x1;
	_ =	shalt  }
.Lfunc_end1:
_tile_overlayer_lowered:
.L_overlay_start_2:
0xa4: {  	(tag) =	ssettag $0x2  }
0xa5: {  	s0 =	rddreg [dreg:$0x0];
	s2 =	stileid.u32  }
0xa6: {  	s1 =	rddreg [dreg:$0x1];
	p0 =	sne.s32 s2, $0x0  }
0xa7: {  	s3 =	rddreg [dreg:$0x2];
	[bflag:$0x3] =	sbarrier.arrive $0xFFFF;
	s2 =	simm.s32 @!p0 $0x1C01  }
0xa8: {  	[timem:s3], [sflag:s2] =	dma.local @!p0 [hbm:s0], s1  }
0xa9: {  	s0 =	simm.s32 @!p0 $0x1  }
0xaa: {  	_ =	swait.ge @!p0 [sflag:s0], s1  }
0xab: {  	s1 =	ssub.s32 @!p0 $0x0, s1;
	[sflag:s0] =	ssyncset.done @!p0 $0x0  }
0xac: {  	[sflag:s0] =	ssyncadd.s32 @!p0 s1  }
0xad: {  	[bflag:$0x3] =	sbarrier.arrive $0xFFFF  }
0xae: {  	_ =	shalt  }

</sc_bundles>
